<compile_context>
chip_gen: v7x
topology: tpu7x:2x2x1
jax: 0.10.2.dev20260603
libtpu: 0.0.44.dev20260713+nightly
codegen_flags: <defaults>
</compile_context>

<pallas_src>
import jax
import jax.numpy as jnp
from jax import lax
from jax.experimental import pallas as pl
from jax.experimental.pallas import tpu as pltpu
from jax.experimental.pallas import tpu_sc as plsc

NC = 2
NS = 16
NW = NC * NS
D = 128
LANES = 16
NCH = D // LANES
CH = 64
HALF = 104
REST = 96
NNEG = HALF + REST
MARGIN = 0.5


def _sc_body(uids, pids, nids, utab, itab, out,
             uidv, pidv, nidv, urows, prows, nrows, lossv,
             semn0, semn1, semu, semp):
    wid = lax.axis_index("s") * NC + lax.axis_index("c")
    bt = uids.shape[0] // NW
    n_chunks = bt // CH
    base = wid * bt

    def stage_chunk(lc, q):
        b0 = base + lc * CH
        pltpu.sync_copy(uids.at[pl.ds(b0, CH)], uidv.at[q])
        pltpu.sync_copy(pids.at[pl.ds(b0, CH)], pidv.at[q])
        pltpu.sync_copy(nids.at[pl.ds(b0, CH)], nidv.at[q])
        pltpu.async_copy(utab.at[uidv.at[q]], urows.at[q], semu)
        pltpu.async_copy(itab.at[pidv.at[q]], prows.at[q], semp)

    def issue_neg(bl, p):
        q = (bl // CH) & 1
        bi = bl % CH
        pltpu.async_copy(itab.at[nidv.at[q, bi, 0]],
                         nrows.at[p, pl.ds(0, HALF)], semn0)
        pltpu.async_copy(itab.at[nidv.at[q, bi, 1, pl.ds(0, REST)]],
                         nrows.at[p, pl.ds(HALF, REST)], semn1)

    stage_chunk(0, 0)
    issue_neg(0, 0)

    def b_iter(bl, tl):
        p = bl & 1
        lc = bl // CH
        q = lc & 1
        bi = bl % CH

        @pl.when(bi == 0)
        def _():
            pltpu.make_async_copy(utab.at[pl.ds(0, CH)],
                                  urows.at[q], semu).wait()
            pltpu.make_async_copy(itab.at[pl.ds(0, CH)],
                                  prows.at[q], semp).wait()

        pltpu.make_async_copy(itab.at[pl.ds(0, HALF)],
                              nrows.at[p, pl.ds(0, HALF)], semn0).wait()
        pltpu.make_async_copy(itab.at[pl.ds(0, REST)],
                              nrows.at[p, pl.ds(HALF, REST)], semn1).wait()

        @pl.when((bi == CH - 1) & (lc + 1 < n_chunks))
        def _():
            stage_chunk(lc + 1, 1 - q)

        @pl.when(bl + 1 < bt)
        def _():
            issue_neg(bl + 1, 1 - p)

        u = [urows[q, bi, pl.ds(c * LANES, LANES)] for c in range(NCH)]
        accp = jnp.zeros((LANES,), jnp.float32)
        for c in range(NCH):
            dv = prows[q, bi, pl.ds(c * LANES, LANES)] - u[c]
            accp = accp + dv * dv
        pd = jnp.sum(accp)

        def neg_row(n, mn):
            acc = jnp.zeros((LANES,), jnp.float32)
            for c in range(NCH):
                dv = nrows[p, n, pl.ds(c * LANES, LANES)] - u[c]
                acc = acc + dv * dv
            return jnp.minimum(mn, jnp.sum(acc))

        mn = plsc.parallel_loop(0, NNEG, 1, unroll=4,
                                carry=jnp.float32(3.0e38))(neg_row)
        delta = mn - pd
        return tl + jnp.abs(delta - jnp.float32(MARGIN))

    tile_loss = lax.fori_loop(0, bt, b_iter, jnp.float32(0.0))
    lossv[...] = jnp.broadcast_to(tile_loss, (LANES,))
    pltpu.sync_copy(lossv, out.at[wid])


def kernel(user_ids, pos_ids, neg_ids, user_table, item_table):
    batch, nneg = neg_ids.shape
    nid2 = jnp.concatenate(
        [neg_ids[:, :HALF], neg_ids[:, HALF:], neg_ids[:, :2 * HALF - nneg]],
        axis=1).reshape(batch, 2, HALF)
    mesh = plsc.VectorSubcoreMesh(core_axis_name="c", subcore_axis_name="s")
    f = pl.kernel(
        _sc_body,
        out_type=jax.ShapeDtypeStruct((NW, LANES), jnp.float32),
        mesh=mesh,
        compiler_params=pltpu.CompilerParams(needs_layout_passes=False),
        scratch_types=[
            pltpu.VMEM((2, CH), jnp.int32),
            pltpu.VMEM((2, CH), jnp.int32),
            pltpu.VMEM((2, CH, 2, HALF), jnp.int32),
            pltpu.VMEM((2, CH, D), jnp.float32),
            pltpu.VMEM((2, CH, D), jnp.float32),
            pltpu.VMEM((2, NNEG, D), jnp.float32),
            pltpu.VMEM((LANES,), jnp.float32),
            pltpu.SemaphoreType.DMA,
            pltpu.SemaphoreType.DMA,
            pltpu.SemaphoreType.DMA,
            pltpu.SemaphoreType.DMA,
        ],
    )
    partials = f(user_ids, pos_ids, nid2, user_table, item_table)
    return jnp.sum(partials[:, 0])

# --- scband reference (transcript-rebuilt; emitter-appended) ---
"""Pipeline reference for scband-cpe-52261162058006 (READ-ONLY COPY).

The authoritative reference and input builder live on the scoring server;
editing this copy changes nothing except your own understanding.
"""

import jax, jax.numpy as jnp
import numpy as np

NUM_USERS = 100000
NUM_ITEMS = 100000
DIM = 128
BATCH = 16384
N_NEG = 200
MARGIN = 0.5

def setup_inputs(seed: int = 0) -> dict:
    key = jax.random.key(seed)
    k1, k2, k3, k4, k5 = jax.random.split(key, 5)
    user_ids = jax.random.randint(k1, (BATCH,), 0, NUM_USERS, dtype=jnp.int64 if jax.config.jax_enable_x64 else jnp.int32).astype(jnp.int32)
    pos_ids = jax.random.randint(k2, (BATCH,), 0, NUM_ITEMS).astype(jnp.int32)
    neg_ids = jax.random.randint(k3, (BATCH, N_NEG), 0, NUM_ITEMS).astype(jnp.int32)
    user_table = jax.random.normal(k4, (NUM_USERS, DIM), dtype=jnp.float32) * 0.01
    item_table = jax.random.normal(k5, (NUM_ITEMS, DIM), dtype=jnp.float32) * (1.0 / DIM ** 0.5)
    return {"user_ids": user_ids, "pos_ids": pos_ids, "neg_ids": neg_ids,
            "user_table": user_table, "item_table": item_table}

def reference(user_ids, pos_ids, neg_ids, user_table, item_table):
    # embedding lookups (gather)
    ue = jnp.take(user_table, user_ids, axis=0)            # [B, D]
    pe = jnp.take(item_table, pos_ids, axis=0)             # [B, D]
    pos_distances = jnp.sum(jnp.square(ue - pe), axis=-1)  # [B]
    ne = jnp.take(item_table, neg_ids, axis=0)             # [B, N, D]
    ue_b = ue[:, None, :]                                  # [B, 1, D]
    neg_distances = jnp.sum(jnp.square(ue_b - ne), axis=-1)  # [B, N]
    min_neg_distances = jnp.min(neg_distances, axis=-1)    # [B]
    delta_p_n = min_neg_distances - pos_distances
    loss = jnp.sum(jax.nn.relu(delta_p_n - MARGIN)) + jnp.sum(jax.nn.relu(MARGIN - delta_p_n))
    return loss

if __name__ == "__main__":
    import jax
    _d = setup_inputs()
    print(jax.jit(kernel)(*tuple(_d.values())))

</pallas_src>

<mosaic_0001>
#map = affine_map<(d0, d1) -> (0)>
#map1 = affine_map<(d0, d1) -> (0, 0, 0)>
#map2 = affine_map<(d0, d1) -> (0, 0)>
module attributes {stable_mosaic.version = 14 : i64} {
  func.func @_sc_body(%arg0: i32, %arg1: i32, %arg2: memref<16384xi32, #tpu.memory_space<hbm>>, %arg3: memref<16384xi32, #tpu.memory_space<hbm>>, %arg4: memref<16384x2x104xi32, #tpu.memory_space<hbm>>, %arg5: memref<100000x128xf32, #tpu.memory_space<hbm>>, %arg6: memref<100000x128xf32, #tpu.memory_space<hbm>>, %arg7: memref<32x16xf32, #tpu.memory_space<hbm>>, %arg8: memref<2x64xi32, #tpu.memory_space<vmem>>, %arg9: memref<2x64xi32, #tpu.memory_space<vmem>>, %arg10: memref<2x64x2x104xi32, #tpu.memory_space<vmem>>, %arg11: memref<2x64x128xf32, #tpu.memory_space<vmem>>, %arg12: memref<2x64x128xf32, #tpu.memory_space<vmem>>, %arg13: memref<2x200x128xf32, #tpu.memory_space<vmem>>, %arg14: memref<16xf32, #tpu.memory_space<vmem>>, %arg15: memref<!tpu.dma_semaphore, #tpu.memory_space<semaphore_mem>>, %arg16: memref<!tpu.dma_semaphore, #tpu.memory_space<semaphore_mem>>, %arg17: memref<!tpu.dma_semaphore, #tpu.memory_space<semaphore_mem>>, %arg18: memref<!tpu.dma_semaphore, #tpu.memory_space<semaphore_mem>>) attributes {dimension_semantics = [#tpu.dimension_semantics<core_parallel>, #tpu.dimension_semantics<subcore_parallel>], iteration_bounds = array<i64: 2, 16>, scalar_prefetch = 0 : i64, scratch_operands = 11 : i64, tpu.core_type = #tpu.core_type<sc_vector_subcore>, window_params = [{transform_indices = #map}, {transform_indices = #map}, {transform_indices = #map1}, {transform_indices = #map2}, {transform_indices = #map2}, {transform_indices = #map2}]} {
    %mul3A = arith.constant 2 : i32
    %mul3A_0 = arith.muli %arg1, %mul3A : i32
    %add3A = arith.addi %mul3A_0, %arg0 : i32
    %mul3A_1 = arith.constant 512 : i32
    %mul3A_2 = arith.muli %add3A, %mul3A_1 : i32
    %add3A_3 = arith.constant 0 : i32
    %add3A_4 = arith.addi %mul3A_2, %add3A_3 : i32
    %run_scoped3A = arith.constant 0 : i32
    "tpu.region"() ({
      %run_scoped3A_65 = tpu.sem_alloc : memref<!tpu.dma_semaphore, #tpu.memory_space<semaphore_mem>>
      %dma_start3A_66 = arith.constant 0 : i32
      %dma_start3A_67 = tpu.memref_slice %arg8[%run_scoped3A, %dma_start3A_66] : memref<2x64xi32, #tpu.memory_space<vmem>> -> memref<1x64xi32, #tpu.memory_space<vmem>>
      %dma_start3A_68 = tpu.memref_squeeze %dma_start3A_67 : memref<1x64xi32, #tpu.memory_space<vmem>> -> memref<64xi32, #tpu.memory_space<vmem>>
      %dma_start3A_69 = tpu.memref_slice %arg2[%add3A_4] : memref<16384xi32, #tpu.memory_space<hbm>> -> memref<64xi32, #tpu.memory_space<hbm>>
      %dma_start3A_70 = arith.constant 0 : i32
      %dma_start3A_71 = tpu.memref_slice %arg8[%run_scoped3A, %dma_start3A_70] : memref<2x64xi32, #tpu.memory_space<vmem>> -> memref<1x64xi32, #tpu.memory_space<vmem>>
      %dma_start3A_72 = tpu.memref_squeeze %dma_start3A_71 : memref<1x64xi32, #tpu.memory_space<vmem>> -> memref<64xi32, #tpu.memory_space<vmem>>
      %dma_start3A_73 = tpu.memref_slice %arg2[%add3A_4] : memref<16384xi32, #tpu.memory_space<hbm>> -> memref<64xi32, #tpu.memory_space<hbm>>
      tpu.enqueue_dma source(%dma_start3A_73 : memref<64xi32, #tpu.memory_space<hbm>>) target(%dma_start3A_72 : memref<64xi32, #tpu.memory_space<vmem>>) target_semaphore(%run_scoped3A_65 : memref<!tpu.dma_semaphore, #tpu.memory_space<semaphore_mem>>)
      %dma_wait3A = arith.constant 0 : i32
      %dma_wait3A_74 = tpu.memref_slice %arg8[%run_scoped3A, %dma_wait3A] : memref<2x64xi32, #tpu.memory_space<vmem>> -> memref<1x64xi32, #tpu.memory_space<vmem>>
      %dma_wait3A_75 = tpu.memref_squeeze %dma_wait3A_74 : memref<1x64xi32, #tpu.memory_space<vmem>> -> memref<64xi32, #tpu.memory_space<vmem>>
      %dma_wait3A_76 = tpu.memref_slice %arg2[%add3A_4] : memref<16384xi32, #tpu.memory_space<hbm>> -> memref<64xi32, #tpu.memory_space<hbm>>
      %dma_wait3A_77 = arith.constant 0 : i32
      %dma_wait3A_78 = tpu.memref_slice %arg8[%run_scoped3A, %dma_wait3A_77] : memref<2x64xi32, #tpu.memory_space<vmem>> -> memref<1x64xi32, #tpu.memory_space<vmem>>
      %dma_wait3A_79 = tpu.memref_squeeze %dma_wait3A_78 : memref<1x64xi32, #tpu.memory_space<vmem>> -> memref<64xi32, #tpu.memory_space<vmem>>
      %dma_wait3A_80 = tpu.memref_slice %arg2[%add3A_4] : memref<16384xi32, #tpu.memory_space<hbm>> -> memref<64xi32, #tpu.memory_space<hbm>>
      tpu.wait_dma2 semaphore(%run_scoped3A_65 : memref<!tpu.dma_semaphore, #tpu.memory_space<semaphore_mem>>) src(%dma_wait3A_80 : memref<64xi32, #tpu.memory_space<hbm>>) dst(%dma_wait3A_79 : memref<64xi32, #tpu.memory_space<vmem>>)
      tpu.yield
    }) : () -> ()
    %run_scoped3A_5 = arith.constant 0 : i32
    "tpu.region"() ({
      %run_scoped3A_65 = tpu.sem_alloc : memref<!tpu.dma_semaphore, #tpu.memory_space<semaphore_mem>>
      %dma_start3A_66 = arith.constant 0 : i32
      %dma_start3A_67 = tpu.memref_slice %arg9[%run_scoped3A_5, %dma_start3A_66] : memref<2x64xi32, #tpu.memory_space<vmem>> -> memref<1x64xi32, #tpu.memory_space<vmem>>
      %dma_start3A_68 = tpu.memref_squeeze %dma_start3A_67 : memref<1x64xi32, #tpu.memory_space<vmem>> -> memref<64xi32, #tpu.memory_space<vmem>>
      %dma_start3A_69 = tpu.memref_slice %arg3[%add3A_4] : memref<16384xi32, #tpu.memory_space<hbm>> -> memref<64xi32, #tpu.memory_space<hbm>>
      %dma_start3A_70 = arith.constant 0 : i32
      %dma_start3A_71 = tpu.memref_slice %arg9[%run_scoped3A_5, %dma_start3A_70] : memref<2x64xi32, #tpu.memory_space<vmem>> -> memref<1x64xi32, #tpu.memory_space<vmem>>
      %dma_start3A_72 = tpu.memref_squeeze %dma_start3A_71 : memref<1x64xi32, #tpu.memory_space<vmem>> -> memref<64xi32, #tpu.memory_space<vmem>>
      %dma_start3A_73 = tpu.memref_slice %arg3[%add3A_4] : memref<16384xi32, #tpu.memory_space<hbm>> -> memref<64xi32, #tpu.memory_space<hbm>>
      tpu.enqueue_dma source(%dma_start3A_73 : memref<64xi32, #tpu.memory_space<hbm>>) target(%dma_start3A_72 : memref<64xi32, #tpu.memory_space<vmem>>) target_semaphore(%run_scoped3A_65 : memref<!tpu.dma_semaphore, #tpu.memory_space<semaphore_mem>>)
      %dma_wait3A = arith.constant 0 : i32
      %dma_wait3A_74 = tpu.memref_slice %arg9[%run_scoped3A_5, %dma_wait3A] : memref<2x64xi32, #tpu.memory_space<vmem>> -> memref<1x64xi32, #tpu.memory_space<vmem>>
      %dma_wait3A_75 = tpu.memref_squeeze %dma_wait3A_74 : memref<1x64xi32, #tpu.memory_space<vmem>> -> memref<64xi32, #tpu.memory_space<vmem>>
      %dma_wait3A_76 = tpu.memref_slice %arg3[%add3A_4] : memref<16384xi32, #tpu.memory_space<hbm>> -> memref<64xi32, #tpu.memory_space<hbm>>
      %dma_wait3A_77 = arith.constant 0 : i32
      %dma_wait3A_78 = tpu.memref_slice %arg9[%run_scoped3A_5, %dma_wait3A_77] : memref<2x64xi32, #tpu.memory_space<vmem>> -> memref<1x64xi32, #tpu.memory_space<vmem>>
      %dma_wait3A_79 = tpu.memref_squeeze %dma_wait3A_78 : memref<1x64xi32, #tpu.memory_space<vmem>> -> memref<64xi32, #tpu.memory_space<vmem>>
      %dma_wait3A_80 = tpu.memref_slice %arg3[%add3A_4] : memref<16384xi32, #tpu.memory_space<hbm>> -> memref<64xi32, #tpu.memory_space<hbm>>
      tpu.wait_dma2 semaphore(%run_scoped3A_65 : memref<!tpu.dma_semaphore, #tpu.memory_space<semaphore_mem>>) src(%dma_wait3A_80 : memref<64xi32, #tpu.memory_space<hbm>>) dst(%dma_wait3A_79 : memref<64xi32, #tpu.memory_space<vmem>>)
      tpu.yield
    }) : () -> ()
    %run_scoped3A_6 = arith.constant 0 : i32
    "tpu.region"() ({
      %run_scoped3A_65 = tpu.sem_alloc : memref<!tpu.dma_semaphore, #tpu.memory_space<semaphore_mem>>
      %dma_start3A_66 = arith.constant 0 : i32
      %dma_start3A_67 = arith.constant 0 : i32
      %dma_start3A_68 = arith.constant 0 : i32
      %dma_start3A_69 = tpu.memref_slice %arg10[%run_scoped3A_6, %dma_start3A_66, %dma_start3A_67, %dma_start3A_68] : memref<2x64x2x104xi32, #tpu.memory_space<vmem>> -> memref<1x64x2x104xi32, #tpu.memory_space<vmem>>
      %dma_start3A_70 = tpu.memref_squeeze %dma_start3A_69 : memref<1x64x2x104xi32, #tpu.memory_space<vmem>> -> memref<64x2x104xi32, #tpu.memory_space<vmem>>
      %dma_start3A_71 = arith.constant 0 : i32
      %dma_start3A_72 = arith.constant 0 : i32
      %dma_start3A_73 = tpu.memref_slice %arg4[%add3A_4, %dma_start3A_71, %dma_start3A_72] : memref<16384x2x104xi32, #tpu.memory_space<hbm>> -> memref<64x2x104xi32, #tpu.memory_space<hbm>>
      %dma_start3A_74 = arith.constant 0 : i32
      %dma_start3A_75 = arith.constant 0 : i32
      %dma_start3A_76 = arith.constant 0 : i32
      %dma_start3A_77 = tpu.memref_slice %arg10[%run_scoped3A_6, %dma_start3A_74, %dma_start3A_75, %dma_start3A_76] : memref<2x64x2x104xi32, #tpu.memory_space<vmem>> -> memref<1x64x2x104xi32, #tpu.memory_space<vmem>>
      %dma_start3A_78 = tpu.memref_squeeze %dma_start3A_77 : memref<1x64x2x104xi32, #tpu.memory_space<vmem>> -> memref<64x2x104xi32, #tpu.memory_space<vmem>>
      %dma_start3A_79 = arith.constant 0 : i32
      %dma_start3A_80 = arith.constant 0 : i32
      %dma_start3A_81 = tpu.memref_slice %arg4[%add3A_4, %dma_start3A_79, %dma_start3A_80] : memref<16384x2x104xi32, #tpu.memory_space<hbm>> -> memref<64x2x104xi32, #tpu.memory_space<hbm>>
      tpu.enqueue_dma source(%dma_start3A_81 : memref<64x2x104xi32, #tpu.memory_space<hbm>>) target(%dma_start3A_78 : memref<64x2x104xi32, #tpu.memory_space<vmem>>) target_semaphore(%run_scoped3A_65 : memref<!tpu.dma_semaphore, #tpu.memory_space<semaphore_mem>>)
      %dma_wait3A = arith.constant 0 : i32
      %dma_wait3A_82 = arith.constant 0 : i32
      %dma_wait3A_83 = arith.constant 0 : i32
      %dma_wait3A_84 = tpu.memref_slice %arg10[%run_scoped3A_6, %dma_wait3A, %dma_wait3A_82, %dma_wait3A_83] : memref<2x64x2x104xi32, #tpu.memory_space<vmem>> -> memref<1x64x2x104xi32, #tpu.memory_space<vmem>>
      %dma_wait3A_85 = tpu.memref_squeeze %dma_wait3A_84 : memref<1x64x2x104xi32, #tpu.memory_space<vmem>> -> memref<64x2x104xi32, #tpu.memory_space<vmem>>
      %dma_wait3A_86 = arith.constant 0 : i32
      %dma_wait3A_87 = arith.constant 0 : i32
      %dma_wait3A_88 = tpu.memref_slice %arg4[%add3A_4, %dma_wait3A_86, %dma_wait3A_87] : memref<16384x2x104xi32, #tpu.memory_space<hbm>> -> memref<64x2x104xi32, #tpu.memory_space<hbm>>
      %dma_wait3A_89 = arith.constant 0 : i32
      %dma_wait3A_90 = arith.constant 0 : i32
      %dma_wait3A_91 = arith.constant 0 : i32
      %dma_wait3A_92 = tpu.memref_slice %arg10[%run_scoped3A_6, %dma_wait3A_89, %dma_wait3A_90, %dma_wait3A_91] : memref<2x64x2x104xi32, #tpu.memory_space<vmem>> -> memref<1x64x2x104xi32, #tpu.memory_space<vmem>>
      %dma_wait3A_93 = tpu.memref_squeeze %dma_wait3A_92 : memref<1x64x2x104xi32, #tpu.memory_space<vmem>> -> memref<64x2x104xi32, #tpu.memory_space<vmem>>
      %dma_wait3A_94 = arith.constant 0 : i32
      %dma_wait3A_95 = arith.constant 0 : i32
      %dma_wait3A_96 = tpu.memref_slice %arg4[%add3A_4, %dma_wait3A_94, %dma_wait3A_95] : memref<16384x2x104xi32, #tpu.memory_space<hbm>> -> memref<64x2x104xi32, #tpu.memory_space<hbm>>
      tpu.wait_dma2 semaphore(%run_scoped3A_65 : memref<!tpu.dma_semaphore, #tpu.memory_space<semaphore_mem>>) src(%dma_wait3A_96 : memref<64x2x104xi32, #tpu.memory_space<hbm>>) dst(%dma_wait3A_93 : memref<64x2x104xi32, #tpu.memory_space<vmem>>)
      tpu.yield
    }) : () -> ()
    %dma_start3A = arith.constant 0 : i32
    %dma_start3A_7 = arith.constant 0 : i32
    %dma_start3A_8 = arith.constant 0 : i32
    %dma_start3A_9 = arith.constant 0 : i32
    %dma_start3A_10 = tpu.memref_slice %arg11[%dma_start3A_7, %dma_start3A_8, %dma_start3A_9] : memref<2x64x128xf32, #tpu.memory_space<vmem>> -> memref<1x64x128xf32, #tpu.memory_space<vmem>>
    %dma_start3A_11 = tpu.memref_squeeze %dma_start3A_10 : memref<1x64x128xf32, #tpu.memory_space<vmem>> -> memref<64x128xf32, #tpu.memory_space<vmem>>
    %dma_start3A_12 = arith.constant 0 : i32
    %dma_start3A_13 = tpu.memref_slice %arg8[%dma_start3A, %dma_start3A_12] : memref<2x64xi32, #tpu.memory_space<vmem>> -> memref<1x64xi32, #tpu.memory_space<vmem>>
    %dma_start3A_14 = tpu.memref_squeeze %dma_start3A_13 : memref<1x64xi32, #tpu.memory_space<vmem>> -> memref<64xi32, #tpu.memory_space<vmem>>
    %dma_start3A_15 = arith.constant 0 : i32
    %dma_start3A_16 = arith.constant 0 : i32
    %dma_start3A_17 = tpu.memref_slice %arg5[%dma_start3A_15, %dma_start3A_16] : memref<100000x128xf32, #tpu.memory_space<hbm>> -> memref<100000x128xf32, #tpu.memory_space<hbm>>
    tpu.enqueue_indirect_dma source(%dma_start3A_17 : memref<100000x128xf32, #tpu.memory_space<hbm>>) target(%dma_start3A_11 : memref<64x128xf32, #tpu.memory_space<vmem>>) offsets(%dma_start3A_14 : memref<64xi32, #tpu.memory_space<vmem>>) semaphore(%arg17 : memref<!tpu.dma_semaphore, #tpu.memory_space<semaphore_mem>>)
    %dma_start3A_18 = arith.constant 0 : i32
    %dma_start3A_19 = arith.constant 0 : i32
    %dma_start3A_20 = arith.constant 0 : i32
    %dma_start3A_21 = arith.constant 0 : i32
    %dma_start3A_22 = tpu.memref_slice %arg12[%dma_start3A_19, %dma_start3A_20, %dma_start3A_21] : memref<2x64x128xf32, #tpu.memory_space<vmem>> -> memref<1x64x128xf32, #tpu.memory_space<vmem>>
    %dma_start3A_23 = tpu.memref_squeeze %dma_start3A_22 : memref<1x64x128xf32, #tpu.memory_space<vmem>> -> memref<64x128xf32, #tpu.memory_space<vmem>>
    %dma_start3A_24 = arith.constant 0 : i32
    %dma_start3A_25 = tpu.memref_slice %arg9[%dma_start3A_18, %dma_start3A_24] : memref<2x64xi32, #tpu.memory_space<vmem>> -> memref<1x64xi32, #tpu.memory_space<vmem>>
    %dma_start3A_26 = tpu.memref_squeeze %dma_start3A_25 : memref<1x64xi32, #tpu.memory_space<vmem>> -> memref<64xi32, #tpu.memory_space<vmem>>
    %dma_start3A_27 = arith.constant 0 : i32
    %dma_start3A_28 = arith.constant 0 : i32
    %dma_start3A_29 = tpu.memref_slice %arg6[%dma_start3A_27, %dma_start3A_28] : memref<100000x128xf32, #tpu.memory_space<hbm>> -> memref<100000x128xf32, #tpu.memory_space<hbm>>
    tpu.enqueue_indirect_dma source(%dma_start3A_29 : memref<100000x128xf32, #tpu.memory_space<hbm>>) target(%dma_start3A_23 : memref<64x128xf32, #tpu.memory_space<vmem>>) offsets(%dma_start3A_26 : memref<64xi32, #tpu.memory_space<vmem>>) semaphore(%arg18 : memref<!tpu.dma_semaphore, #tpu.memory_space<semaphore_mem>>)
    %dma_start3A_30 = arith.constant 0 : i32
    %dma_start3A_31 = arith.constant 0 : i32
    %dma_start3A_32 = arith.constant 0 : i32
    %dma_start3A_33 = arith.constant 0 : i32
    %dma_start3A_34 = arith.constant 0 : i32
    %dma_start3A_35 = arith.constant 0 : i32
    %dma_start3A_36 = tpu.memref_slice %arg13[%dma_start3A_33, %dma_start3A_34, %dma_start3A_35] : memref<2x200x128xf32, #tpu.memory_space<vmem>> -> memref<1x104x128xf32, #tpu.memory_space<vmem>>
    %dma_start3A_37 = tpu.memref_squeeze %dma_start3A_36 : memref<1x104x128xf32, #tpu.memory_space<vmem>> -> memref<104x128xf32, #tpu.memory_space<vmem>>
    %dma_start3A_38 = arith.constant 0 : i32
    %dma_start3A_39 = tpu.memref_slice %arg10[%dma_start3A_30, %dma_start3A_31, %dma_start3A_32, %dma_start3A_38] : memref<2x64x2x104xi32, #tpu.memory_space<vmem>> -> memref<1x1x1x104xi32, #tpu.memory_space<vmem>>
    %dma_start3A_40 = tpu.memref_squeeze %dma_start3A_39 : memref<1x1x1x104xi32, #tpu.memory_space<vmem>> -> memref<104xi32, #tpu.memory_space<vmem>>
    %dma_start3A_41 = arith.constant 0 : i32
    %dma_start3A_42 = arith.constant 0 : i32
    %dma_start3A_43 = tpu.memref_slice %arg6[%dma_start3A_41, %dma_start3A_42] : memref<100000x128xf32, #tpu.memory_space<hbm>> -> memref<100000x128xf32, #tpu.memory_space<hbm>>
    tpu.enqueue_indirect_dma source(%dma_start3A_43 : memref<100000x128xf32, #tpu.memory_space<hbm>>) target(%dma_start3A_37 : memref<104x128xf32, #tpu.memory_space<vmem>>) offsets(%dma_start3A_40 : memref<104xi32, #tpu.memory_space<vmem>>) semaphore(%arg15 : memref<!tpu.dma_semaphore, #tpu.memory_space<semaphore_mem>>)
    %dma_start3A_44 = arith.constant 0 : i32
    %dma_start3A_45 = arith.constant 0 : i32
    %dma_start3A_46 = arith.constant 1 : i32
    %dma_start3A_47 = arith.constant 0 : i32
    %dma_start3A_48 = arith.constant 104 : i32
    %dma_start3A_49 = arith.constant 0 : i32
    %dma_start3A_50 = tpu.memref_slice %arg13[%dma_start3A_47, %dma_start3A_48, %dma_start3A_49] : memref<2x200x128xf32, #tpu.memory_space<vmem>> -> memref<1x96x128xf32, #tpu.memory_space<vmem>>
    %dma_start3A_51 = tpu.memref_squeeze %dma_start3A_50 : memref<1x96x128xf32, #tpu.memory_space<vmem>> -> memref<96x128xf32, #tpu.memory_space<vmem>>
    %dma_start3A_52 = arith.constant 0 : i32
    %dma_start3A_53 = tpu.memref_slice %arg10[%dma_start3A_44, %dma_start3A_45, %dma_start3A_46, %dma_start3A_52] : memref<2x64x2x104xi32, #tpu.memory_space<vmem>> -> memref<1x1x1x96xi32, #tpu.memory_space<vmem>>
    %dma_start3A_54 = tpu.memref_squeeze %dma_start3A_53 : memref<1x1x1x96xi32, #tpu.memory_space<vmem>> -> memref<96xi32, #tpu.memory_space<vmem>>
    %dma_start3A_55 = arith.constant 0 : i32
    %dma_start3A_56 = arith.constant 0 : i32
    %dma_start3A_57 = tpu.memref_slice %arg6[%dma_start3A_55, %dma_start3A_56] : memref<100000x128xf32, #tpu.memory_space<hbm>> -> memref<100000x128xf32, #tpu.memory_space<hbm>>
    tpu.enqueue_indirect_dma source(%dma_start3A_57 : memref<100000x128xf32, #tpu.memory_space<hbm>>) target(%dma_start3A_51 : memref<96x128xf32, #tpu.memory_space<vmem>>) offsets(%dma_start3A_54 : memref<96xi32, #tpu.memory_space<vmem>>) semaphore(%arg16 : memref<!tpu.dma_semaphore, #tpu.memory_space<semaphore_mem>>)
    %scan3A = arith.constant 0.000000e+00 : f32
    %scan3A_58 = arith.constant 0 : i32
    %scan3A_59 = arith.constant 512 : i32
    %scan3A_60 = arith.addi %scan3A_58, %scan3A_59 : i32
    %scan3A_61 = arith.constant 1 : i32
    %scan3A_62 = scf.for %scan3A_65 = %scan3A_58 to %scan3A_60 step %scan3A_61 iter_args(%scan3A_66 = %scan3A) -> (f32)  : i32 {
      %and3A = arith.constant 1 : i32
      %and3A_67 = arith.andi %scan3A_65, %and3A : i32
      %jit3A = arith.constant 64 : i32
      %div3A = arith.divsi %scan3A_65, %jit3A : i32
      %sign3A = arith.constant 0 : i32
      %sign3A_68 = arith.cmpi sgt, %scan3A_65, %sign3A : i32
      %sign3A_69 = arith.extui %sign3A_68 : i1 to i32
      %sign3A_70 = arith.constant 0 : i32
      %sign3A_71 = arith.cmpi slt, %scan3A_65, %sign3A_70 : i32
      %sign3A_72 = arith.extui %sign3A_71 : i1 to i32
      %sign3A_73 = arith.subi %sign3A_69, %sign3A_72 : i32
      %sign3A_74 = arith.constant 0 : i32
      %sign3A_75 = arith.cmpi sgt, %jit3A, %sign3A_74 : i32
      %sign3A_76 = arith.extui %sign3A_75 : i1 to i32
      %sign3A_77 = arith.constant 0 : i32
      %sign3A_78 = arith.cmpi slt, %jit3A, %sign3A_77 : i32
      %sign3A_79 = arith.extui %sign3A_78 : i1 to i32
      %sign3A_80 = arith.subi %sign3A_76, %sign3A_79 : i32
      %ne3A = arith.cmpi ne, %sign3A_73, %sign3A_80 : i32
      %rem3A = arith.remsi %scan3A_65, %jit3A : i32
      %ne3A_81 = arith.constant 0 : i32
      %ne3A_82 = arith.cmpi ne, %rem3A, %ne3A_81 : i32
      %and3A_83 = arith.andi %ne3A, %ne3A_82 : i1
      %sub3A = arith.constant 1 : i32
      %sub3A_84 = arith.subi %div3A, %sub3A : i32
      %select_n3A = arith.select %and3A_83, %sub3A_84, %div3A : i32
      %and3A_85 = arith.constant 1 : i32
      %and3A_86 = arith.andi %select_n3A, %and3A_85 : i32
      %jit3A_87 = arith.constant 64 : i32
      %eq3A = arith.constant 0 : i32
      %eq3A_88 = arith.cmpi eq, %jit3A_87, %eq3A : i32
      %jit3A_89 = arith.constant 1 : i32
      %select_n3A_90 = arith.select %eq3A_88, %jit3A_89, %jit3A_87 : i32
      %rem3A_91 = arith.remsi %scan3A_65, %select_n3A_90 : i32
      %ne3A_92 = arith.constant 0 : i32
      %ne3A_93 = arith.cmpi ne, %rem3A_91, %ne3A_92 : i32
      %lt3A = arith.constant 0 : i32
      %lt3A_94 = arith.cmpi slt, %rem3A_91, %lt3A : i32
      %lt3A_95 = arith.constant 0 : i32
      %lt3A_96 = arith.cmpi slt, %select_n3A_90, %lt3A_95 : i32
      %ne3A_97 = arith.xori %lt3A_94, %lt3A_96 : i1
      %and3A_98 = arith.andi %ne3A_97, %ne3A_93 : i1
      %add3A_99 = arith.addi %rem3A_91, %select_n3A_90 : i32
      %select_n3A_100 = arith.select %and3A_98, %add3A_99, %rem3A_91 : i32
      %eq3A_101 = arith.constant 0 : i32
      %eq3A_102 = arith.cmpi eq, %select_n3A_100, %eq3A_101 : i32
      %convert_element_type3A = arith.extui %eq3A_102 : i1 to i32
      %cond3A = arith.constant 0 : i32
      %cond3A_103 = arith.cmpi ne, %convert_element_type3A, %cond3A : i32
      scf.if %cond3A_103 {
        %dma_wait3A_248 = arith.constant 0 : i32
        %dma_wait3A_249 = arith.constant 0 : i32
        %dma_wait3A_250 = tpu.memref_slice %arg11[%and3A_86, %dma_wait3A_248, %dma_wait3A_249] : memref<2x64x128xf32, #tpu.memory_space<vmem>> -> memref<1x64x128xf32, #tpu.memory_space<vmem>>
        %dma_wait3A_251 = tpu.memref_squeeze %dma_wait3A_250 : memref<1x64x128xf32, #tpu.memory_space<vmem>> -> memref<64x128xf32, #tpu.memory_space<vmem>>
        %dma_wait3A_252 = arith.constant 0 : i32
        %dma_wait3A_253 = arith.constant 0 : i32
        %dma_wait3A_254 = tpu.memref_slice %arg5[%dma_wait3A_252, %dma_wait3A_253] : memref<100000x128xf32, #tpu.memory_space<hbm>> -> memref<64x128xf32, #tpu.memory_space<hbm>>
        %dma_wait3A_255 = arith.constant 0 : i32
        %dma_wait3A_256 = arith.constant 0 : i32
        %dma_wait3A_257 = tpu.memref_slice %arg11[%and3A_86, %dma_wait3A_255, %dma_wait3A_256] : memref<2x64x128xf32, #tpu.memory_space<vmem>> -> memref<1x64x128xf32, #tpu.memory_space<vmem>>
        %dma_wait3A_258 = tpu.memref_squeeze %dma_wait3A_257 : memref<1x64x128xf32, #tpu.memory_space<vmem>> -> memref<64x128xf32, #tpu.memory_space<vmem>>
        %dma_wait3A_259 = arith.constant 0 : i32
        %dma_wait3A_260 = arith.constant 0 : i32
        %dma_wait3A_261 = tpu.memref_slice %arg5[%dma_wait3A_259, %dma_wait3A_260] : memref<100000x128xf32, #tpu.memory_space<hbm>> -> memref<64x128xf32, #tpu.memory_space<hbm>>
        tpu.wait_dma2 semaphore(%arg17 : memref<!tpu.dma_semaphore, #tpu.memory_space<semaphore_mem>>) src(%dma_wait3A_261 : memref<64x128xf32, #tpu.memory_space<hbm>>) dst(%dma_wait3A_258 : memref<64x128xf32, #tpu.memory_space<vmem>>)
        %dma_wait3A_262 = arith.constant 0 : i32
        %dma_wait3A_263 = arith.constant 0 : i32
        %dma_wait3A_264 = tpu.memref_slice %arg12[%and3A_86, %dma_wait3A_262, %dma_wait3A_263] : memref<2x64x128xf32, #tpu.memory_space<vmem>> -> memref<1x64x128xf32, #tpu.memory_space<vmem>>
        %dma_wait3A_265 = tpu.memref_squeeze %dma_wait3A_264 : memref<1x64x128xf32, #tpu.memory_space<vmem>> -> memref<64x128xf32, #tpu.memory_space<vmem>>
        %dma_wait3A_266 = arith.constant 0 : i32
        %dma_wait3A_267 = arith.constant 0 : i32
        %dma_wait3A_268 = tpu.memref_slice %arg6[%dma_wait3A_266, %dma_wait3A_267] : memref<100000x128xf32, #tpu.memory_space<hbm>> -> memref<64x128xf32, #tpu.memory_space<hbm>>
        %dma_wait3A_269 = arith.constant 0 : i32
        %dma_wait3A_270 = arith.constant 0 : i32
        %dma_wait3A_271 = tpu.memref_slice %arg12[%and3A_86, %dma_wait3A_269, %dma_wait3A_270] : memref<2x64x128xf32, #tpu.memory_space<vmem>> -> memref<1x64x128xf32, #tpu.memory_space<vmem>>
        %dma_wait3A_272 = tpu.memref_squeeze %dma_wait3A_271 : memref<1x64x128xf32, #tpu.memory_space<vmem>> -> memref<64x128xf32, #tpu.memory_space<vmem>>
        %dma_wait3A_273 = arith.constant 0 : i32
        %dma_wait3A_274 = arith.constant 0 : i32
        %dma_wait3A_275 = tpu.memref_slice %arg6[%dma_wait3A_273, %dma_wait3A_274] : memref<100000x128xf32, #tpu.memory_space<hbm>> -> memref<64x128xf32, #tpu.memory_space<hbm>>
        tpu.wait_dma2 semaphore(%arg18 : memref<!tpu.dma_semaphore, #tpu.memory_space<semaphore_mem>>) src(%dma_wait3A_275 : memref<64x128xf32, #tpu.memory_space<hbm>>) dst(%dma_wait3A_272 : memref<64x128xf32, #tpu.memory_space<vmem>>)
      } else {
      }
      %dma_wait3A = arith.constant 0 : i32
      %dma_wait3A_104 = arith.constant 0 : i32
      %dma_wait3A_105 = tpu.memref_slice %arg13[%and3A_67, %dma_wait3A, %dma_wait3A_104] : memref<2x200x128xf32, #tpu.memory_space<vmem>> -> memref<1x104x128xf32, #tpu.memory_space<vmem>>
      %dma_wait3A_106 = tpu.memref_squeeze %dma_wait3A_105 : memref<1x104x128xf32, #tpu.memory_space<vmem>> -> memref<104x128xf32, #tpu.memory_space<vmem>>
      %dma_wait3A_107 = arith.constant 0 : i32
      %dma_wait3A_108 = arith.constant 0 : i32
      %dma_wait3A_109 = tpu.memref_slice %arg6[%dma_wait3A_107, %dma_wait3A_108] : memref<100000x128xf32, #tpu.memory_space<hbm>> -> memref<104x128xf32, #tpu.memory_space<hbm>>
      %dma_wait3A_110 = arith.constant 0 : i32
      %dma_wait3A_111 = arith.constant 0 : i32
      %dma_wait3A_112 = tpu.memref_slice %arg13[%and3A_67, %dma_wait3A_110, %dma_wait3A_111] : memref<2x200x128xf32, #tpu.memory_space<vmem>> -> memref<1x104x128xf32, #tpu.memory_space<vmem>>
      %dma_wait3A_113 = tpu.memref_squeeze %dma_wait3A_112 : memref<1x104x128xf32, #tpu.memory_space<vmem>> -> memref<104x128xf32, #tpu.memory_space<vmem>>
      %dma_wait3A_114 = arith.constant 0 : i32
      %dma_wait3A_115 = arith.constant 0 : i32
      %dma_wait3A_116 = tpu.memref_slice %arg6[%dma_wait3A_114, %dma_wait3A_115] : memref<100000x128xf32, #tpu.memory_space<hbm>> -> memref<104x128xf32, #tpu.memory_space<hbm>>
      tpu.wait_dma2 semaphore(%arg15 : memref<!tpu.dma_semaphore, #tpu.memory_space<semaphore_mem>>) src(%dma_wait3A_116 : memref<104x128xf32, #tpu.memory_space<hbm>>) dst(%dma_wait3A_113 : memref<104x128xf32, #tpu.memory_space<vmem>>)
      %dma_wait3A_117 = arith.constant 104 : i32
      %dma_wait3A_118 = arith.constant 0 : i32
      %dma_wait3A_119 = tpu.memref_slice %arg13[%and3A_67, %dma_wait3A_117, %dma_wait3A_118] : memref<2x200x128xf32, #tpu.memory_space<vmem>> -> memref<1x96x128xf32, #tpu.memory_space<vmem>>
      %dma_wait3A_120 = tpu.memref_squeeze %dma_wait3A_119 : memref<1x96x128xf32, #tpu.memory_space<vmem>> -> memref<96x128xf32, #tpu.memory_space<vmem>>
      %dma_wait3A_121 = arith.constant 0 : i32
      %dma_wait3A_122 = arith.constant 0 : i32
      %dma_wait3A_123 = tpu.memref_slice %arg6[%dma_wait3A_121, %dma_wait3A_122] : memref<100000x128xf32, #tpu.memory_space<hbm>> -> memref<96x128xf32, #tpu.memory_space<hbm>>
      %dma_wait3A_124 = arith.constant 104 : i32
      %dma_wait3A_125 = arith.constant 0 : i32
      %dma_wait3A_126 = tpu.memref_slice %arg13[%and3A_67, %dma_wait3A_124, %dma_wait3A_125] : memref<2x200x128xf32, #tpu.memory_space<vmem>> -> memref<1x96x128xf32, #tpu.memory_space<vmem>>
      %dma_wait3A_127 = tpu.memref_squeeze %dma_wait3A_126 : memref<1x96x128xf32, #tpu.memory_space<vmem>> -> memref<96x128xf32, #tpu.memory_space<vmem>>
      %dma_wait3A_128 = arith.constant 0 : i32
      %dma_wait3A_129 = arith.constant 0 : i32
      %dma_wait3A_130 = tpu.memref_slice %arg6[%dma_wait3A_128, %dma_wait3A_129] : memref<100000x128xf32, #tpu.memory_space<hbm>> -> memref<96x128xf32, #tpu.memory_space<hbm>>
      tpu.wait_dma2 semaphore(%arg16 : memref<!tpu.dma_semaphore, #tpu.memory_space<semaphore_mem>>) src(%dma_wait3A_130 : memref<96x128xf32, #tpu.memory_space<hbm>>) dst(%dma_wait3A_127 : memref<96x128xf32, #tpu.memory_space<vmem>>)
      %eq3A_131 = arith.constant 63 : i32
      %eq3A_132 = arith.cmpi eq, %select_n3A_100, %eq3A_131 : i32
      %add3A_133 = arith.constant 1 : i32
      %add3A_134 = arith.addi %select_n3A, %add3A_133 : i32
      %lt3A_135 = arith.constant 8 : i32
      %lt3A_136 = arith.cmpi slt, %add3A_134, %lt3A_135 : i32
      %and3A_137 = arith.andi %eq3A_132, %lt3A_136 : i1
      %convert_element_type3A_138 = arith.extui %and3A_137 : i1 to i32
      %cond3A_139 = arith.constant 0 : i32
      %cond3A_140 = arith.cmpi ne, %convert_element_type3A_138, %cond3A_139 : i32
      scf.if %cond3A_140 {
        %add3A_248 = arith.constant 1 : i32
        %add3A_249 = arith.addi %select_n3A, %add3A_248 : i32
        %sub3A_250 = arith.constant 1 : i32
        %sub3A_251 = arith.subi %sub3A_250, %and3A_86 : i32
        %mul3A_252 = arith.constant 64 : i32
        %mul3A_253 = arith.muli %add3A_249, %mul3A_252 : i32
        %add3A_254 = arith.addi %mul3A_2, %mul3A_253 : i32
        "tpu.region"() ({
          %run_scoped3A_275 = tpu.sem_alloc : memref<!tpu.dma_semaphore, #tpu.memory_space<semaphore_mem>>
          %dma_start3A_276 = arith.constant 0 : i32
          %dma_start3A_277 = tpu.memref_slice %arg8[%sub3A_251, %dma_start3A_276] : memref<2x64xi32, #tpu.memory_space<vmem>> -> memref<1x64xi32, #tpu.memory_space<vmem>>
          %dma_start3A_278 = tpu.memref_squeeze %dma_start3A_277 : memref<1x64xi32, #tpu.memory_space<vmem>> -> memref<64xi32, #tpu.memory_space<vmem>>
          %dma_start3A_279 = tpu.memref_slice %arg2[%add3A_254] : memref<16384xi32, #tpu.memory_space<hbm>> -> memref<64xi32, #tpu.memory_space<hbm>>
          %dma_start3A_280 = arith.constant 0 : i32
          %dma_start3A_281 = tpu.memref_slice %arg8[%sub3A_251, %dma_start3A_280] : memref<2x64xi32, #tpu.memory_space<vmem>> -> memref<1x64xi32, #tpu.memory_space<vmem>>
          %dma_start3A_282 = tpu.memref_squeeze %dma_start3A_281 : memref<1x64xi32, #tpu.memory_space<vmem>> -> memref<64xi32, #tpu.memory_space<vmem>>
          %dma_start3A_283 = tpu.memref_slice %arg2[%add3A_254] : memref<16384xi32, #tpu.memory_space<hbm>> -> memref<64xi32, #tpu.memory_space<hbm>>
          tpu.enqueue_dma source(%dma_start3A_283 : memref<64xi32, #tpu.memory_space<hbm>>) target(%dma_start3A_282 : memref<64xi32, #tpu.memory_space<vmem>>) target_semaphore(%run_scoped3A_275 : memref<!tpu.dma_semaphore, #tpu.memory_space<semaphore_mem>>)
          %dma_wait3A_284 = arith.constant 0 : i32
          %dma_wait3A_285 = tpu.memref_slice %arg8[%sub3A_251, %dma_wait3A_284] : memref<2x64xi32, #tpu.memory_space<vmem>> -> memref<1x64xi32, #tpu.memory_space<vmem>>
          %dma_wait3A_286 = tpu.memref_squeeze %dma_wait3A_285 : memref<1x64xi32, #tpu.memory_space<vmem>> -> memref<64xi32, #tpu.memory_space<vmem>>
          %dma_wait3A_287 = tpu.memref_slice %arg2[%add3A_254] : memref<16384xi32, #tpu.memory_space<hbm>> -> memref<64xi32, #tpu.memory_space<hbm>>
          %dma_wait3A_288 = arith.constant 0 : i32
          %dma_wait3A_289 = tpu.memref_slice %arg8[%sub3A_251, %dma_wait3A_288] : memref<2x64xi32, #tpu.memory_space<vmem>> -> memref<1x64xi32, #tpu.memory_space<vmem>>
          %dma_wait3A_290 = tpu.memref_squeeze %dma_wait3A_289 : memref<1x64xi32, #tpu.memory_space<vmem>> -> memref<64xi32, #tpu.memory_space<vmem>>
          %dma_wait3A_291 = tpu.memref_slice %arg2[%add3A_254] : memref<16384xi32, #tpu.memory_space<hbm>> -> memref<64xi32, #tpu.memory_space<hbm>>
          tpu.wait_dma2 semaphore(%run_scoped3A_275 : memref<!tpu.dma_semaphore, #tpu.memory_space<semaphore_mem>>) src(%dma_wait3A_291 : memref<64xi32, #tpu.memory_space<hbm>>) dst(%dma_wait3A_290 : memref<64xi32, #tpu.memory_space<vmem>>)
          tpu.yield
        }) : () -> ()
        "tpu.region"() ({
          %run_scoped3A_275 = tpu.sem_alloc : memref<!tpu.dma_semaphore, #tpu.memory_space<semaphore_mem>>
          %dma_start3A_276 = arith.constant 0 : i32
          %dma_start3A_277 = tpu.memref_slice %arg9[%sub3A_251, %dma_start3A_276] : memref<2x64xi32, #tpu.memory_space<vmem>> -> memref<1x64xi32, #tpu.memory_space<vmem>>
          %dma_start3A_278 = tpu.memref_squeeze %dma_start3A_277 : memref<1x64xi32, #tpu.memory_space<vmem>> -> memref<64xi32, #tpu.memory_space<vmem>>
          %dma_start3A_279 = tpu.memref_slice %arg3[%add3A_254] : memref<16384xi32, #tpu.memory_space<hbm>> -> memref<64xi32, #tpu.memory_space<hbm>>
          %dma_start3A_280 = arith.constant 0 : i32
          %dma_start3A_281 = tpu.memref_slice %arg9[%sub3A_251, %dma_start3A_280] : memref<2x64xi32, #tpu.memory_space<vmem>> -> memref<1x64xi32, #tpu.memory_space<vmem>>
          %dma_start3A_282 = tpu.memref_squeeze %dma_start3A_281 : memref<1x64xi32, #tpu.memory_space<vmem>> -> memref<64xi32, #tpu.memory_space<vmem>>
          %dma_start3A_283 = tpu.memref_slice %arg3[%add3A_254] : memref<16384xi32, #tpu.memory_space<hbm>> -> memref<64xi32, #tpu.memory_space<hbm>>
          tpu.enqueue_dma source(%dma_start3A_283 : memref<64xi32, #tpu.memory_space<hbm>>) target(%dma_start3A_282 : memref<64xi32, #tpu.memory_space<vmem>>) target_semaphore(%run_scoped3A_275 : memref<!tpu.dma_semaphore, #tpu.memory_space<semaphore_mem>>)
          %dma_wait3A_284 = arith.constant 0 : i32
          %dma_wait3A_285 = tpu.memref_slice %arg9[%sub3A_251, %dma_wait3A_284] : memref<2x64xi32, #tpu.memory_space<vmem>> -> memref<1x64xi32, #tpu.memory_space<vmem>>
          %dma_wait3A_286 = tpu.memref_squeeze %dma_wait3A_285 : memref<1x64xi32, #tpu.memory_space<vmem>> -> memref<64xi32, #tpu.memory_space<vmem>>
          %dma_wait3A_287 = tpu.memref_slice %arg3[%add3A_254] : memref<16384xi32, #tpu.memory_space<hbm>> -> memref<64xi32, #tpu.memory_space<hbm>>
          %dma_wait3A_288 = arith.constant 0 : i32
          %dma_wait3A_289 = tpu.memref_slice %arg9[%sub3A_251, %dma_wait3A_288] : memref<2x64xi32, #tpu.memory_space<vmem>> -> memref<1x64xi32, #tpu.memory_space<vmem>>
          %dma_wait3A_290 = tpu.memref_squeeze %dma_wait3A_289 : memref<1x64xi32, #tpu.memory_space<vmem>> -> memref<64xi32, #tpu.memory_space<vmem>>
          %dma_wait3A_291 = tpu.memref_slice %arg3[%add3A_254] : memref<16384xi32, #tpu.memory_space<hbm>> -> memref<64xi32, #tpu.memory_space<hbm>>
          tpu.wait_dma2 semaphore(%run_scoped3A_275 : memref<!tpu.dma_semaphore, #tpu.memory_space<semaphore_mem>>) src(%dma_wait3A_291 : memref<64xi32, #tpu.memory_space<hbm>>) dst(%dma_wait3A_290 : memref<64xi32, #tpu.memory_space<vmem>>)
          tpu.yield
        }) : () -> ()
        "tpu.region"() ({
          %run_scoped3A_275 = tpu.sem_alloc : memref<!tpu.dma_semaphore, #tpu.memory_space<semaphore_mem>>
          %dma_start3A_276 = arith.constant 0 : i32
          %dma_start3A_277 = arith.constant 0 : i32
          %dma_start3A_278 = arith.constant 0 : i32
          %dma_start3A_279 = tpu.memref_slice %arg10[%sub3A_251, %dma_start3A_276, %dma_start3A_277, %dma_start3A_278] : memref<2x64x2x104xi32, #tpu.memory_space<vmem>> -> memref<1x64x2x104xi32, #tpu.memory_space<vmem>>
          %dma_start3A_280 = tpu.memref_squeeze %dma_start3A_279 : memref<1x64x2x104xi32, #tpu.memory_space<vmem>> -> memref<64x2x104xi32, #tpu.memory_space<vmem>>
          %dma_start3A_281 = arith.constant 0 : i32
          %dma_start3A_282 = arith.constant 0 : i32
          %dma_start3A_283 = tpu.memref_slice %arg4[%add3A_254, %dma_start3A_281, %dma_start3A_282] : memref<16384x2x104xi32, #tpu.memory_space<hbm>> -> memref<64x2x104xi32, #tpu.memory_space<hbm>>
          %dma_start3A_284 = arith.constant 0 : i32
          %dma_start3A_285 = arith.constant 0 : i32
          %dma_start3A_286 = arith.constant 0 : i32
          %dma_start3A_287 = tpu.memref_slice %arg10[%sub3A_251, %dma_start3A_284, %dma_start3A_285, %dma_start3A_286] : memref<2x64x2x104xi32, #tpu.memory_space<vmem>> -> memref<1x64x2x104xi32, #tpu.memory_space<vmem>>
          %dma_start3A_288 = tpu.memref_squeeze %dma_start3A_287 : memref<1x64x2x104xi32, #tpu.memory_space<vmem>> -> memref<64x2x104xi32, #tpu.memory_space<vmem>>
          %dma_start3A_289 = arith.constant 0 : i32
          %dma_start3A_290 = arith.constant 0 : i32
          %dma_start3A_291 = tpu.memref_slice %arg4[%add3A_254, %dma_start3A_289, %dma_start3A_290] : memref<16384x2x104xi32, #tpu.memory_space<hbm>> -> memref<64x2x104xi32, #tpu.memory_space<hbm>>
          tpu.enqueue_dma source(%dma_start3A_291 : memref<64x2x104xi32, #tpu.memory_space<hbm>>) target(%dma_start3A_288 : memref<64x2x104xi32, #tpu.memory_space<vmem>>) target_semaphore(%run_scoped3A_275 : memref<!tpu.dma_semaphore, #tpu.memory_space<semaphore_mem>>)
          %dma_wait3A_292 = arith.constant 0 : i32
          %dma_wait3A_293 = arith.constant 0 : i32
          %dma_wait3A_294 = arith.constant 0 : i32
          %dma_wait3A_295 = tpu.memref_slice %arg10[%sub3A_251, %dma_wait3A_292, %dma_wait3A_293, %dma_wait3A_294] : memref<2x64x2x104xi32, #tpu.memory_space<vmem>> -> memref<1x64x2x104xi32, #tpu.memory_space<vmem>>
          %dma_wait3A_296 = tpu.memref_squeeze %dma_wait3A_295 : memref<1x64x2x104xi32, #tpu.memory_space<vmem>> -> memref<64x2x104xi32, #tpu.memory_space<vmem>>
          %dma_wait3A_297 = arith.constant 0 : i32
          %dma_wait3A_298 = arith.constant 0 : i32
          %dma_wait3A_299 = tpu.memref_slice %arg4[%add3A_254, %dma_wait3A_297, %dma_wait3A_298] : memref<16384x2x104xi32, #tpu.memory_space<hbm>> -> memref<64x2x104xi32, #tpu.memory_space<hbm>>
          %dma_wait3A_300 = arith.constant 0 : i32
          %dma_wait3A_301 = arith.constant 0 : i32
          %dma_wait3A_302 = arith.constant 0 : i32
          %dma_wait3A_303 = tpu.memref_slice %arg10[%sub3A_251, %dma_wait3A_300, %dma_wait3A_301, %dma_wait3A_302] : memref<2x64x2x104xi32, #tpu.memory_space<vmem>> -> memref<1x64x2x104xi32, #tpu.memory_space<vmem>>
          %dma_wait3A_304 = tpu.memref_squeeze %dma_wait3A_303 : memref<1x64x2x104xi32, #tpu.memory_space<vmem>> -> memref<64x2x104xi32, #tpu.memory_space<vmem>>
          %dma_wait3A_305 = arith.constant 0 : i32
          %dma_wait3A_306 = arith.constant 0 : i32
          %dma_wait3A_307 = tpu.memref_slice %arg4[%add3A_254, %dma_wait3A_305, %dma_wait3A_306] : memref<16384x2x104xi32, #tpu.memory_space<hbm>> -> memref<64x2x104xi32, #tpu.memory_space<hbm>>
          tpu.wait_dma2 semaphore(%run_scoped3A_275 : memref<!tpu.dma_semaphore, #tpu.memory_space<semaphore_mem>>) src(%dma_wait3A_307 : memref<64x2x104xi32, #tpu.memory_space<hbm>>) dst(%dma_wait3A_304 : memref<64x2x104xi32, #tpu.memory_space<vmem>>)
          tpu.yield
        }) : () -> ()
        %dma_start3A_255 = arith.constant 0 : i32
        %dma_start3A_256 = arith.constant 0 : i32
        %dma_start3A_257 = tpu.memref_slice %arg11[%sub3A_251, %dma_start3A_255, %dma_start3A_256] : memref<2x64x128xf32, #tpu.memory_space<vmem>> -> memref<1x64x128xf32, #tpu.memory_space<vmem>>
        %dma_start3A_258 = tpu.memref_squeeze %dma_start3A_257 : memref<1x64x128xf32, #tpu.memory_space<vmem>> -> memref<64x128xf32, #tpu.memory_space<vmem>>
        %dma_start3A_259 = arith.constant 0 : i32
        %dma_start3A_260 = tpu.memref_slice %arg8[%sub3A_251, %dma_start3A_259] : memref<2x64xi32, #tpu.memory_space<vmem>> -> memref<1x64xi32, #tpu.memory_space<vmem>>
        %dma_start3A_261 = tpu.memref_squeeze %dma_start3A_260 : memref<1x64xi32, #tpu.memory_space<vmem>> -> memref<64xi32, #tpu.memory_space<vmem>>
        %dma_start3A_262 = arith.constant 0 : i32
        %dma_start3A_263 = arith.constant 0 : i32
        %dma_start3A_264 = tpu.memref_slice %arg5[%dma_start3A_262, %dma_start3A_263] : memref<100000x128xf32, #tpu.memory_space<hbm>> -> memref<100000x128xf32, #tpu.memory_space<hbm>>
        tpu.enqueue_indirect_dma source(%dma_start3A_264 : memref<100000x128xf32, #tpu.memory_space<hbm>>) target(%dma_start3A_258 : memref<64x128xf32, #tpu.memory_space<vmem>>) offsets(%dma_start3A_261 : memref<64xi32, #tpu.memory_space<vmem>>) semaphore(%arg17 : memref<!tpu.dma_semaphore, #tpu.memory_space<semaphore_mem>>)
        %dma_start3A_265 = arith.constant 0 : i32
        %dma_start3A_266 = arith.constant 0 : i32
        %dma_start3A_267 = tpu.memref_slice %arg12[%sub3A_251, %dma_start3A_265, %dma_start3A_266] : memref<2x64x128xf32, #tpu.memory_space<vmem>> -> memref<1x64x128xf32, #tpu.memory_space<vmem>>
        %dma_start3A_268 = tpu.memref_squeeze %dma_start3A_267 : memref<1x64x128xf32, #tpu.memory_space<vmem>> -> memref<64x128xf32, #tpu.memory_space<vmem>>
        %dma_start3A_269 = arith.constant 0 : i32
        %dma_start3A_270 = tpu.memref_slice %arg9[%sub3A_251, %dma_start3A_269] : memref<2x64xi32, #tpu.memory_space<vmem>> -> memref<1x64xi32, #tpu.memory_space<vmem>>
        %dma_start3A_271 = tpu.memref_squeeze %dma_start3A_270 : memref<1x64xi32, #tpu.memory_space<vmem>> -> memref<64xi32, #tpu.memory_space<vmem>>
        %dma_start3A_272 = arith.constant 0 : i32
        %dma_start3A_273 = arith.constant 0 : i32
        %dma_start3A_274 = tpu.memref_slice %arg6[%dma_start3A_272, %dma_start3A_273] : memref<100000x128xf32, #tpu.memory_space<hbm>> -> memref<100000x128xf32, #tpu.memory_space<hbm>>
        tpu.enqueue_indirect_dma source(%dma_start3A_274 : memref<100000x128xf32, #tpu.memory_space<hbm>>) target(%dma_start3A_268 : memref<64x128xf32, #tpu.memory_space<vmem>>) offsets(%dma_start3A_271 : memref<64xi32, #tpu.memory_space<vmem>>) semaphore(%arg18 : memref<!tpu.dma_semaphore, #tpu.memory_space<semaphore_mem>>)
      } else {
      }
      %add3A_141 = arith.constant 1 : i32
      %add3A_142 = arith.addi %scan3A_65, %add3A_141 : i32
      %lt3A_143 = arith.constant 512 : i32
      %lt3A_144 = arith.cmpi slt, %add3A_142, %lt3A_143 : i32
      %convert_element_type3A_145 = arith.extui %lt3A_144 : i1 to i32
      %cond3A_146 = arith.constant 0 : i32
      %cond3A_147 = arith.cmpi ne, %convert_element_type3A_145, %cond3A_146 : i32
      scf.if %cond3A_147 {
        %add3A_248 = arith.constant 1 : i32
        %add3A_249 = arith.addi %scan3A_65, %add3A_248 : i32
        %sub3A_250 = arith.constant 1 : i32
        %sub3A_251 = arith.subi %sub3A_250, %and3A_67 : i32
        %jit3A_252 = arith.constant 64 : i32
        %div3A_253 = arith.divsi %add3A_249, %jit3A_252 : i32
        %sign3A_254 = arith.constant 0 : i32
        %sign3A_255 = arith.cmpi sgt, %add3A_249, %sign3A_254 : i32
        %sign3A_256 = arith.extui %sign3A_255 : i1 to i32
        %sign3A_257 = arith.constant 0 : i32
        %sign3A_258 = arith.cmpi slt, %add3A_249, %sign3A_257 : i32
        %sign3A_259 = arith.extui %sign3A_258 : i1 to i32
        %sign3A_260 = arith.subi %sign3A_256, %sign3A_259 : i32
        %sign3A_261 = arith.constant 0 : i32
        %sign3A_262 = arith.cmpi sgt, %jit3A_252, %sign3A_261 : i32
        %sign3A_263 = arith.extui %sign3A_262 : i1 to i32
        %sign3A_264 = arith.constant 0 : i32
        %sign3A_265 = arith.cmpi slt, %jit3A_252, %sign3A_264 : i32
        %sign3A_266 = arith.extui %sign3A_265 : i1 to i32
        %sign3A_267 = arith.subi %sign3A_263, %sign3A_266 : i32
        %ne3A_268 = arith.cmpi ne, %sign3A_260, %sign3A_267 : i32
        %rem3A_269 = arith.remsi %add3A_249, %jit3A_252 : i32
        %ne3A_270 = arith.constant 0 : i32
        %ne3A_271 = arith.cmpi ne, %rem3A_269, %ne3A_270 : i32
        %and3A_272 = arith.andi %ne3A_268, %ne3A_271 : i1
        %sub3A_273 = arith.constant 1 : i32
        %sub3A_274 = arith.subi %div3A_253, %sub3A_273 : i32
        %select_n3A_275 = arith.select %and3A_272, %sub3A_274, %div3A_253 : i32
        %and3A_276 = arith.constant 1 : i32
        %and3A_277 = arith.andi %select_n3A_275, %and3A_276 : i32
        %jit3A_278 = arith.constant 64 : i32
        %eq3A_279 = arith.constant 0 : i32
        %eq3A_280 = arith.cmpi eq, %jit3A_278, %eq3A_279 : i32
        %jit3A_281 = arith.constant 1 : i32
        %select_n3A_282 = arith.select %eq3A_280, %jit3A_281, %jit3A_278 : i32
        %rem3A_283 = arith.remsi %add3A_249, %select_n3A_282 : i32
        %ne3A_284 = arith.constant 0 : i32
        %ne3A_285 = arith.cmpi ne, %rem3A_283, %ne3A_284 : i32
        %lt3A_286 = arith.constant 0 : i32
        %lt3A_287 = arith.cmpi slt, %rem3A_283, %lt3A_286 : i32
        %lt3A_288 = arith.constant 0 : i32
        %lt3A_289 = arith.cmpi slt, %select_n3A_282, %lt3A_288 : i32
        %ne3A_290 = arith.xori %lt3A_287, %lt3A_289 : i1
        %and3A_291 = arith.andi %ne3A_290, %ne3A_285 : i1
        %add3A_292 = arith.addi %rem3A_283, %select_n3A_282 : i32
        %select_n3A_293 = arith.select %and3A_291, %add3A_292, %rem3A_283 : i32
        %dma_start3A_294 = arith.constant 0 : i32
        %dma_start3A_295 = arith.constant 0 : i32
        %dma_start3A_296 = arith.constant 0 : i32
        %dma_start3A_297 = tpu.memref_slice %arg13[%sub3A_251, %dma_start3A_295, %dma_start3A_296] : memref<2x200x128xf32, #tpu.memory_space<vmem>> -> memref<1x104x128xf32, #tpu.memory_space<vmem>>
        %dma_start3A_298 = tpu.memref_squeeze %dma_start3A_297 : memref<1x104x128xf32, #tpu.memory_space<vmem>> -> memref<104x128xf32, #tpu.memory_space<vmem>>
        %dma_start3A_299 = arith.constant 0 : i32
        %dma_start3A_300 = tpu.memref_slice %arg10[%and3A_277, %select_n3A_293, %dma_start3A_294, %dma_start3A_299] : memref<2x64x2x104xi32, #tpu.memory_space<vmem>> -> memref<1x1x1x104xi32, #tpu.memory_space<vmem>>
        %dma_start3A_301 = tpu.memref_squeeze %dma_start3A_300 : memref<1x1x1x104xi32, #tpu.memory_space<vmem>> -> memref<104xi32, #tpu.memory_space<vmem>>
        %dma_start3A_302 = arith.constant 0 : i32
        %dma_start3A_303 = arith.constant 0 : i32
        %dma_start3A_304 = tpu.memref_slice %arg6[%dma_start3A_302, %dma_start3A_303] : memref<100000x128xf32, #tpu.memory_space<hbm>> -> memref<100000x128xf32, #tpu.memory_space<hbm>>
        tpu.enqueue_indirect_dma source(%dma_start3A_304 : memref<100000x128xf32, #tpu.memory_space<hbm>>) target(%dma_start3A_298 : memref<104x128xf32, #tpu.memory_space<vmem>>) offsets(%dma_start3A_301 : memref<104xi32, #tpu.memory_space<vmem>>) semaphore(%arg15 : memref<!tpu.dma_semaphore, #tpu.memory_space<semaphore_mem>>)
        %dma_start3A_305 = arith.constant 1 : i32
        %dma_start3A_306 = arith.constant 104 : i32
        %dma_start3A_307 = arith.constant 0 : i32
        %dma_start3A_308 = tpu.memref_slice %arg13[%sub3A_251, %dma_start3A_306, %dma_start3A_307] : memref<2x200x128xf32, #tpu.memory_space<vmem>> -> memref<1x96x128xf32, #tpu.memory_space<vmem>>
        %dma_start3A_309 = tpu.memref_squeeze %dma_start3A_308 : memref<1x96x128xf32, #tpu.memory_space<vmem>> -> memref<96x128xf32, #tpu.memory_space<vmem>>
        %dma_start3A_310 = arith.constant 0 : i32
        %dma_start3A_311 = tpu.memref_slice %arg10[%and3A_277, %select_n3A_293, %dma_start3A_305, %dma_start3A_310] : memref<2x64x2x104xi32, #tpu.memory_space<vmem>> -> memref<1x1x1x96xi32, #tpu.memory_space<vmem>>
        %dma_start3A_312 = tpu.memref_squeeze %dma_start3A_311 : memref<1x1x1x96xi32, #tpu.memory_space<vmem>> -> memref<96xi32, #tpu.memory_space<vmem>>
        %dma_start3A_313 = arith.constant 0 : i32
        %dma_start3A_314 = arith.constant 0 : i32
        %dma_start3A_315 = tpu.memref_slice %arg6[%dma_start3A_313, %dma_start3A_314] : memref<100000x128xf32, #tpu.memory_space<hbm>> -> memref<100000x128xf32, #tpu.memory_space<hbm>>
        tpu.enqueue_indirect_dma source(%dma_start3A_315 : memref<100000x128xf32, #tpu.memory_space<hbm>>) target(%dma_start3A_309 : memref<96x128xf32, #tpu.memory_space<vmem>>) offsets(%dma_start3A_312 : memref<96xi32, #tpu.memory_space<vmem>>) semaphore(%arg16 : memref<!tpu.dma_semaphore, #tpu.memory_space<semaphore_mem>>)
      } else {
      }
      %get3A = arith.index_cast %and3A_86 : i32 to index
      %get3A_148 = arith.index_cast %select_n3A_100 : i32 to index
      %get3A_149 = arith.constant 0 : index
      %get3A_150 = tpu.vector_load %arg11[%get3A, %get3A_148, %get3A_149] {strides = array<i32>} : memref<2x64x128xf32, #tpu.memory_space<vmem>>, vector<16xf32>,
      %get3A_151 = arith.index_cast %and3A_86 : i32 to index
      %get3A_152 = arith.index_cast %select_n3A_100 : i32 to index
      %get3A_153 = arith.constant 16 : index
      %get3A_154 = tpu.vector_load %arg11[%get3A_151, %get3A_152, %get3A_153] {strides = array<i32>} : memref<2x64x128xf32, #tpu.memory_space<vmem>>, vector<16xf32>,
      %get3A_155 = arith.index_cast %and3A_86 : i32 to index
      %get3A_156 = arith.index_cast %select_n3A_100 : i32 to index
      %get3A_157 = arith.constant 32 : index
      %get3A_158 = tpu.vector_load %arg11[%get3A_155, %get3A_156, %get3A_157] {strides = array<i32>} : memref<2x64x128xf32, #tpu.memory_space<vmem>>, vector<16xf32>,
      %get3A_159 = arith.index_cast %and3A_86 : i32 to index
      %get3A_160 = arith.index_cast %select_n3A_100 : i32 to index
      %get3A_161 = arith.constant 48 : index
      %get3A_162 = tpu.vector_load %arg11[%get3A_159, %get3A_160, %get3A_161] {strides = array<i32>} : memref<2x64x128xf32, #tpu.memory_space<vmem>>, vector<16xf32>,
      %get3A_163 = arith.index_cast %and3A_86 : i32 to index
      %get3A_164 = arith.index_cast %select_n3A_100 : i32 to index
      %get3A_165 = arith.constant 64 : index
      %get3A_166 = tpu.vector_load %arg11[%get3A_163, %get3A_164, %get3A_165] {strides = array<i32>} : memref<2x64x128xf32, #tpu.memory_space<vmem>>, vector<16xf32>,
      %get3A_167 = arith.index_cast %and3A_86 : i32 to index
      %get3A_168 = arith.index_cast %select_n3A_100 : i32 to index
      %get3A_169 = arith.constant 80 : index
      %get3A_170 = tpu.vector_load %arg11[%get3A_167, %get3A_168, %get3A_169] {strides = array<i32>} : memref<2x64x128xf32, #tpu.memory_space<vmem>>, vector<16xf32>,
      %get3A_171 = arith.index_cast %and3A_86 : i32 to index
      %get3A_172 = arith.index_cast %select_n3A_100 : i32 to index
      %get3A_173 = arith.constant 96 : index
      %get3A_174 = tpu.vector_load %arg11[%get3A_171, %get3A_172, %get3A_173] {strides = array<i32>} : memref<2x64x128xf32, #tpu.memory_space<vmem>>, vector<16xf32>,
      %get3A_175 = arith.index_cast %and3A_86 : i32 to index
      %get3A_176 = arith.index_cast %select_n3A_100 : i32 to index
      %get3A_177 = arith.constant 112 : index
      %get3A_178 = tpu.vector_load %arg11[%get3A_175, %get3A_176, %get3A_177] {strides = array<i32>} : memref<2x64x128xf32, #tpu.memory_space<vmem>>, vector<16xf32>,
      %broadcast_in_dim3A_179 = arith.constant 0.000000e+00 : f32
      %broadcast_in_dim3A_180 = vector.broadcast %broadcast_in_dim3A_179 : f32 to vector<16xf32>
      %get3A_181 = arith.index_cast %and3A_86 : i32 to index
      %get3A_182 = arith.index_cast %select_n3A_100 : i32 to index
      %get3A_183 = arith.constant 0 : index
      %get3A_184 = tpu.vector_load %arg12[%get3A_181, %get3A_182, %get3A_183] {strides = array<i32>} : memref<2x64x128xf32, #tpu.memory_space<vmem>>, vector<16xf32>,
      %sub3A_185 = arith.subf %get3A_184, %get3A_150 : vector<16xf32>
      %mul3A_186 = arith.mulf %sub3A_185, %sub3A_185 : vector<16xf32>
      %add3A_187 = arith.addf %broadcast_in_dim3A_180, %mul3A_186 : vector<16xf32>
      %get3A_188 = arith.index_cast %and3A_86 : i32 to index
      %get3A_189 = arith.index_cast %select_n3A_100 : i32 to index
      %get3A_190 = arith.constant 16 : index
      %get3A_191 = tpu.vector_load %arg12[%get3A_188, %get3A_189, %get3A_190] {strides = array<i32>} : memref<2x64x128xf32, #tpu.memory_space<vmem>>, vector<16xf32>,
      %sub3A_192 = arith.subf %get3A_191, %get3A_154 : vector<16xf32>
      %mul3A_193 = arith.mulf %sub3A_192, %sub3A_192 : vector<16xf32>
      %add3A_194 = arith.addf %add3A_187, %mul3A_193 : vector<16xf32>
      %get3A_195 = arith.index_cast %and3A_86 : i32 to index
      %get3A_196 = arith.index_cast %select_n3A_100 : i32 to index
      %get3A_197 = arith.constant 32 : index
      %get3A_198 = tpu.vector_load %arg12[%get3A_195, %get3A_196, %get3A_197] {strides = array<i32>} : memref<2x64x128xf32, #tpu.memory_space<vmem>>, vector<16xf32>,
      %sub3A_199 = arith.subf %get3A_198, %get3A_158 : vector<16xf32>
      %mul3A_200 = arith.mulf %sub3A_199, %sub3A_199 : vector<16xf32>
      %add3A_201 = arith.addf %add3A_194, %mul3A_200 : vector<16xf32>
      %get3A_202 = arith.index_cast %and3A_86 : i32 to index
      %get3A_203 = arith.index_cast %select_n3A_100 : i32 to index
      %get3A_204 = arith.constant 48 : index
      %get3A_205 = tpu.vector_load %arg12[%get3A_202, %get3A_203, %get3A_204] {strides = array<i32>} : memref<2x64x128xf32, #tpu.memory_space<vmem>>, vector<16xf32>,
      %sub3A_206 = arith.subf %get3A_205, %get3A_162 : vector<16xf32>
      %mul3A_207 = arith.mulf %sub3A_206, %sub3A_206 : vector<16xf32>
      %add3A_208 = arith.addf %add3A_201, %mul3A_207 : vector<16xf32>
      %get3A_209 = arith.index_cast %and3A_86 : i32 to index
      %get3A_210 = arith.index_cast %select_n3A_100 : i32 to index
      %get3A_211 = arith.constant 64 : index
      %get3A_212 = tpu.vector_load %arg12[%get3A_209, %get3A_210, %get3A_211] {strides = array<i32>} : memref<2x64x128xf32, #tpu.memory_space<vmem>>, vector<16xf32>,
      %sub3A_213 = arith.subf %get3A_212, %get3A_166 : vector<16xf32>
      %mul3A_214 = arith.mulf %sub3A_213, %sub3A_213 : vector<16xf32>
      %add3A_215 = arith.addf %add3A_208, %mul3A_214 : vector<16xf32>
      %get3A_216 = arith.index_cast %and3A_86 : i32 to index
      %get3A_217 = arith.index_cast %select_n3A_100 : i32 to index
      %get3A_218 = arith.constant 80 : index
      %get3A_219 = tpu.vector_load %arg12[%get3A_216, %get3A_217, %get3A_218] {strides = array<i32>} : memref<2x64x128xf32, #tpu.memory_space<vmem>>, vector<16xf32>,
      %sub3A_220 = arith.subf %get3A_219, %get3A_170 : vector<16xf32>
      %mul3A_221 = arith.mulf %sub3A_220, %sub3A_220 : vector<16xf32>
      %add3A_222 = arith.addf %add3A_215, %mul3A_221 : vector<16xf32>
      %get3A_223 = arith.index_cast %and3A_86 : i32 to index
      %get3A_224 = arith.index_cast %select_n3A_100 : i32 to index
      %get3A_225 = arith.constant 96 : index
      %get3A_226 = tpu.vector_load %arg12[%get3A_223, %get3A_224, %get3A_225] {strides = array<i32>} : memref<2x64x128xf32, #tpu.memory_space<vmem>>, vector<16xf32>,
      %sub3A_227 = arith.subf %get3A_226, %get3A_174 : vector<16xf32>
      %mul3A_228 = arith.mulf %sub3A_227, %sub3A_227 : vector<16xf32>
      %add3A_229 = arith.addf %add3A_222, %mul3A_228 : vector<16xf32>
      %get3A_230 = arith.index_cast %and3A_86 : i32 to index
      %get3A_231 = arith.index_cast %select_n3A_100 : i32 to index
      %get3A_232 = arith.constant 112 : index
      %get3A_233 = tpu.vector_load %arg12[%get3A_230, %get3A_231, %get3A_232] {strides = array<i32>} : memref<2x64x128xf32, #tpu.memory_space<vmem>>, vector<16xf32>,
      %sub3A_234 = arith.subf %get3A_233, %get3A_178 : vector<16xf32>
      %mul3A_235 = arith.mulf %sub3A_234, %sub3A_234 : vector<16xf32>
      %add3A_236 = arith.addf %add3A_229, %mul3A_235 : vector<16xf32>
      %reduce_sum3A = arith.constant true
      %reduce_sum3A_237 = vector.broadcast %reduce_sum3A : i1 to vector<16xi1>
      %reduce_sum3A_238 = tpu.scan <sum>, %add3A_236 masked %reduce_sum3A_237 : vector<16xf32>, vector<16xi1> -> vector<16xf32>
      %reduce_sum3A_239 = vector.extract %reduce_sum3A_238[15] : f32 from vector<16xf32>
      %parallel_loop3A = arith.constant 0 : i32
      %parallel_loop3A_240 = arith.constant 200 : i32
      %parallel_loop3A_241 = arith.constant 1 : i32
      %parallel_loop3A_242 = arith.constant 3.000000e+38 : f32
      %parallel_loop3A_243 = scf.for %parallel_loop3A_248 = %parallel_loop3A to %parallel_loop3A_240 step %parallel_loop3A_241 iter_args(%parallel_loop3A_249 = %parallel_loop3A_242) -> (f32)  : i32 {
        %parallel_loop3A_250 = arith.constant 0.000000e+00 : f32
        %parallel_loop3A_251 = vector.broadcast %parallel_loop3A_250 : f32 to vector<16xf32>
        %parallel_loop3A_252 = arith.index_cast %and3A_67 : i32 to index
        %parallel_loop3A_253 = arith.index_cast %parallel_loop3A_248 : i32 to index
        %parallel_loop3A_254 = arith.constant 0 : index
        %parallel_loop3A_255 = tpu.vector_load %arg13[%parallel_loop3A_252, %parallel_loop3A_253, %parallel_loop3A_254] {strides = array<i32>} : memref<2x200x128xf32, #tpu.memory_space<vmem>>, vector<16xf32>,
        %parallel_loop3A_256 = arith.subf %parallel_loop3A_255, %get3A_150 : vector<16xf32>
        %parallel_loop3A_257 = arith.mulf %parallel_loop3A_256, %parallel_loop3A_256 : vector<16xf32>
        %parallel_loop3A_258 = arith.addf %parallel_loop3A_251, %parallel_loop3A_257 : vector<16xf32>
        %parallel_loop3A_259 = arith.index_cast %and3A_67 : i32 to index
        %parallel_loop3A_260 = arith.index_cast %parallel_loop3A_248 : i32 to index
        %parallel_loop3A_261 = arith.constant 16 : index
        %parallel_loop3A_262 = tpu.vector_load %arg13[%parallel_loop3A_259, %parallel_loop3A_260, %parallel_loop3A_261] {strides = array<i32>} : memref<2x200x128xf32, #tpu.memory_space<vmem>>, vector<16xf32>,
        %parallel_loop3A_263 = arith.subf %parallel_loop3A_262, %get3A_154 : vector<16xf32>
        %parallel_loop3A_264 = arith.mulf %parallel_loop3A_263, %parallel_loop3A_263 : vector<16xf32>
        %parallel_loop3A_265 = arith.addf %parallel_loop3A_258, %parallel_loop3A_264 : vector<16xf32>
        %parallel_loop3A_266 = arith.index_cast %and3A_67 : i32 to index
        %parallel_loop3A_267 = arith.index_cast %parallel_loop3A_248 : i32 to index
        %parallel_loop3A_268 = arith.constant 32 : index
        %parallel_loop3A_269 = tpu.vector_load %arg13[%parallel_loop3A_266, %parallel_loop3A_267, %parallel_loop3A_268] {strides = array<i32>} : memref<2x200x128xf32, #tpu.memory_space<vmem>>, vector<16xf32>,
        %parallel_loop3A_270 = arith.subf %parallel_loop3A_269, %get3A_158 : vector<16xf32>
        %parallel_loop3A_271 = arith.mulf %parallel_loop3A_270, %parallel_loop3A_270 : vector<16xf32>
        %parallel_loop3A_272 = arith.addf %parallel_loop3A_265, %parallel_loop3A_271 : vector<16xf32>
        %parallel_loop3A_273 = arith.index_cast %and3A_67 : i32 to index
        %parallel_loop3A_274 = arith.index_cast %parallel_loop3A_248 : i32 to index
        %parallel_loop3A_275 = arith.constant 48 : index
        %parallel_loop3A_276 = tpu.vector_load %arg13[%parallel_loop3A_273, %parallel_loop3A_274, %parallel_loop3A_275] {strides = array<i32>} : memref<2x200x128xf32, #tpu.memory_space<vmem>>, vector<16xf32>,
        %parallel_loop3A_277 = arith.subf %parallel_loop3A_276, %get3A_162 : vector<16xf32>
        %parallel_loop3A_278 = arith.mulf %parallel_loop3A_277, %parallel_loop3A_277 : vector<16xf32>
        %parallel_loop3A_279 = arith.addf %parallel_loop3A_272, %parallel_loop3A_278 : vector<16xf32>
        %parallel_loop3A_280 = arith.index_cast %and3A_67 : i32 to index
        %parallel_loop3A_281 = arith.index_cast %parallel_loop3A_248 : i32 to index
        %parallel_loop3A_282 = arith.constant 64 : index
        %parallel_loop3A_283 = tpu.vector_load %arg13[%parallel_loop3A_280, %parallel_loop3A_281, %parallel_loop3A_282] {strides = array<i32>} : memref<2x200x128xf32, #tpu.memory_space<vmem>>, vector<16xf32>,
        %parallel_loop3A_284 = arith.subf %parallel_loop3A_283, %get3A_166 : vector<16xf32>
        %parallel_loop3A_285 = arith.mulf %parallel_loop3A_284, %parallel_loop3A_284 : vector<16xf32>
        %parallel_loop3A_286 = arith.addf %parallel_loop3A_279, %parallel_loop3A_285 : vector<16xf32>
        %parallel_loop3A_287 = arith.index_cast %and3A_67 : i32 to index
        %parallel_loop3A_288 = arith.index_cast %parallel_loop3A_248 : i32 to index
        %parallel_loop3A_289 = arith.constant 80 : index
        %parallel_loop3A_290 = tpu.vector_load %arg13[%parallel_loop3A_287, %parallel_loop3A_288, %parallel_loop3A_289] {strides = array<i32>} : memref<2x200x128xf32, #tpu.memory_space<vmem>>, vector<16xf32>,
        %parallel_loop3A_291 = arith.subf %parallel_loop3A_290, %get3A_170 : vector<16xf32>
        %parallel_loop3A_292 = arith.mulf %parallel_loop3A_291, %parallel_loop3A_291 : vector<16xf32>
        %parallel_loop3A_293 = arith.addf %parallel_loop3A_286, %parallel_loop3A_292 : vector<16xf32>
        %parallel_loop3A_294 = arith.index_cast %and3A_67 : i32 to index
        %parallel_loop3A_295 = arith.index_cast %parallel_loop3A_248 : i32 to index
        %parallel_loop3A_296 = arith.constant 96 : index
        %parallel_loop3A_297 = tpu.vector_load %arg13[%parallel_loop3A_294, %parallel_loop3A_295, %parallel_loop3A_296] {strides = array<i32>} : memref<2x200x128xf32, #tpu.memory_space<vmem>>, vector<16xf32>,
        %parallel_loop3A_298 = arith.subf %parallel_loop3A_297, %get3A_174 : vector<16xf32>
        %parallel_loop3A_299 = arith.mulf %parallel_loop3A_298, %parallel_loop3A_298 : vector<16xf32>
        %parallel_loop3A_300 = arith.addf %parallel_loop3A_293, %parallel_loop3A_299 : vector<16xf32>
        %parallel_loop3A_301 = arith.index_cast %and3A_67 : i32 to index
        %parallel_loop3A_302 = arith.index_cast %parallel_loop3A_248 : i32 to index
        %parallel_loop3A_303 = arith.constant 112 : index
        %parallel_loop3A_304 = tpu.vector_load %arg13[%parallel_loop3A_301, %parallel_loop3A_302, %parallel_loop3A_303] {strides = array<i32>} : memref<2x200x128xf32, #tpu.memory_space<vmem>>, vector<16xf32>,
        %parallel_loop3A_305 = arith.subf %parallel_loop3A_304, %get3A_178 : vector<16xf32>
        %parallel_loop3A_306 = arith.mulf %parallel_loop3A_305, %parallel_loop3A_305 : vector<16xf32>
        %parallel_loop3A_307 = arith.addf %parallel_loop3A_300, %parallel_loop3A_306 : vector<16xf32>
        %parallel_loop3A_308 = arith.constant true
        %parallel_loop3A_309 = vector.broadcast %parallel_loop3A_308 : i1 to vector<16xi1>
        %parallel_loop3A_310 = tpu.scan <sum>, %parallel_loop3A_307 masked %parallel_loop3A_309 : vector<16xf32>, vector<16xi1> -> vector<16xf32>
        %parallel_loop3A_311 = vector.extract %parallel_loop3A_310[15] : f32 from vector<16xf32>
        %parallel_loop3A_312 = arith.minimumf %parallel_loop3A_249, %parallel_loop3A_311 : f32
        scf.yield %parallel_loop3A_312 : f32
      } {sc.loop_unroll_factor = 4 : i64, sc.parallel_access}
      %sub3A_244 = arith.subf %parallel_loop3A_243, %reduce_sum3A_239 : f32
      %sub3A_245 = arith.constant 5.000000e-01 : f32
      %sub3A_246 = arith.subf %sub3A_244, %sub3A_245 : f32
      %abs3A = math.absf %sub3A_246 : f32
      %add3A_247 = arith.addf %scan3A_66, %abs3A : f32
      scf.yield %add3A_247 : f32
    }
    %scan3A_63 = arith.constant 512 : i32
    %broadcast_in_dim3A = vector.broadcast %scan3A_62 : f32 to vector<16xf32>
    %swap3A = arith.constant 0 : index
    %swap3A_64 = tpu.vector_load %arg14[%swap3A] {strides = array<i32>} : memref<16xf32, #tpu.memory_space<vmem>>, vector<16xf32>,
    tpu.vector_store %arg14[%swap3A], %broadcast_in_dim3A {strides = array<i32>} : memref<16xf32, #tpu.memory_space<vmem>>, vector<16xf32>,
    "tpu.region"() ({
      %run_scoped3A_65 = tpu.sem_alloc : memref<!tpu.dma_semaphore, #tpu.memory_space<semaphore_mem>>
      %dma_start3A_66 = arith.constant 0 : i32
      %dma_start3A_67 = tpu.memref_slice %arg7[%add3A, %dma_start3A_66] : memref<32x16xf32, #tpu.memory_space<hbm>> -> memref<1x16xf32, #tpu.memory_space<hbm>>
      %dma_start3A_68 = tpu.memref_squeeze %dma_start3A_67 : memref<1x16xf32, #tpu.memory_space<hbm>> -> memref<16xf32, #tpu.memory_space<hbm>>
      %dma_start3A_69 = arith.constant 0 : i32
      %dma_start3A_70 = tpu.memref_slice %arg7[%add3A, %dma_start3A_69] : memref<32x16xf32, #tpu.memory_space<hbm>> -> memref<1x16xf32, #tpu.memory_space<hbm>>
      %dma_start3A_71 = tpu.memref_squeeze %dma_start3A_70 : memref<1x16xf32, #tpu.memory_space<hbm>> -> memref<16xf32, #tpu.memory_space<hbm>>
      tpu.enqueue_dma source(%arg14 : memref<16xf32, #tpu.memory_space<vmem>>) target(%dma_start3A_71 : memref<16xf32, #tpu.memory_space<hbm>>) target_semaphore(%run_scoped3A_65 : memref<!tpu.dma_semaphore, #tpu.memory_space<semaphore_mem>>)
      %dma_wait3A = arith.constant 0 : i32
      %dma_wait3A_72 = tpu.memref_slice %arg7[%add3A, %dma_wait3A] : memref<32x16xf32, #tpu.memory_space<hbm>> -> memref<1x16xf32, #tpu.memory_space<hbm>>
      %dma_wait3A_73 = tpu.memref_squeeze %dma_wait3A_72 : memref<1x16xf32, #tpu.memory_space<hbm>> -> memref<16xf32, #tpu.memory_space<hbm>>
      %dma_wait3A_74 = arith.constant 0 : i32
      %dma_wait3A_75 = tpu.memref_slice %arg7[%add3A, %dma_wait3A_74] : memref<32x16xf32, #tpu.memory_space<hbm>> -> memref<1x16xf32, #tpu.memory_space<hbm>>
      %dma_wait3A_76 = tpu.memref_squeeze %dma_wait3A_75 : memref<1x16xf32, #tpu.memory_space<hbm>> -> memref<16xf32, #tpu.memory_space<hbm>>
      tpu.wait_dma2 semaphore(%run_scoped3A_65 : memref<!tpu.dma_semaphore, #tpu.memory_space<semaphore_mem>>) src(%arg14 : memref<16xf32, #tpu.memory_space<vmem>>) dst(%dma_wait3A_76 : memref<16xf32, #tpu.memory_space<hbm>>)
      tpu.yield
    }) : () -> ()
    return
  }
}

</mosaic_0001>

<sc_bundles>
// kernel: kernel.3.cloned.1.call-start
scs
__scs_entry_jumppad:
0x0: {  	(pc) =	sbr.rel $0x88, $3  }
0x1: {  	(tag) =	ssettag $0x0;
	lr =	simm.s32 $0x1  }
0x2: {  	[smem:$0x3F9C] =	sst lr;
	_ =	strace $0xD0000000  }
0x3: {  	_ = 	snop  }
0x4: {  	_ = 	snop  }
0x5: {  	_ = 	snop  }
0x6: {  	_ = 	snop  }
0x7: {  	_ = 	snop  }
__scs_overlays_trampoline_lowered:
0x8: {  	[smem:$0x3FAB] =	sst s0  }
0x9: {  	[smem:$0x3FAC] =	sst s1  }
0xa: {  	[smem:$0x3FAD] =	sst s2  }
0xb: {  	[smem:$0x3FAE] =	sst s3  }
0xc: {  	[smem:$0x3FAF] =	sst s4  }
0xd: {  	[smem:$0x3FB0] =	sst s5  }
0xe: {  	[smem:$0x3FB1] =	sst s6  }
0xf: {  	[smem:$0x3FB2] =	sst s7  }
0x10: {  	[smem:$0x3FB3] =	sst s8  }
0x11: {  	[smem:$0x3FB4] =	sst s9;
	s0 =	simm.s32 @!p0 $0x0  }
0x12: {  	s1 =	sld [smem:$0x3F9A];
	s0 =	simm.s32 @p0 $0x1  }
0x13: {  	[smem:$0x3FB5] =	sst s0;
	s0 =	simm.s32 @!p1 $0x0  }
0x14: {  	s2 =	sld [smem:$0x3F99];
	s0 =	simm.s32 @p1 $0x1  }
0x15: {  	[smem:$0x3FB6] =	sst s0;
	s0 =	simm.s32 @!p2 $0x0  }
0x16: {  	s3 =	sld [smem:$0x3FDB];
	s0 =	simm.s32 @p2 $0x1  }
0x17: {  	s4 =	simm.s32 $0x1BF5;
	[smem:$0x3FB8] =	sst s0  }
0x18: {  	s0 =	sld [smem:$0x3F9B];
	_ =	swait.ge [sflag:s4], $0x0  }
0x19: {  	s7 =	sld [smem:$0x3F9C]  }
0x1a: {  	s8 =	sadd.s32 $0xFFFFE003, lr  }
0x1b: {  	s9 =	sadd.s32 $0xFFFFFEF7, lr;
	s5 =	simm.s32 $0xFFFFFFFF;
	p2 =	slt.u32 s8, $0xFFFFF086  }
0x1c: {  	p1 =	slt.u32 s9, $0xF7A;
	s5 =	simm.s32 @!p2 $0x0  }
0x1d: {  	s5 =	simm.s32 @p1 $0x1;
	p0 =	seq.s32 s7, s2  }
0x1e: {  	s7 =	smul.u32 @!p0 $0xF7A, s2;
	p2 =	seq.s32 @!p0 s5, $0x0  }
0x1f: {  	s9 =	smul.u32 $0xF7A, s1;
	s8 =	simm.s32 @!p0 $0x1BF5;
	p2 =	por !p2, p0  }
0x20: {  	[sflag:s8] =	ssyncset.s32 @!p0 $0xFFFFF086;
	s6 =	sadd.s32 @!p0 s3, s7;
	s7 =	simm.s32 @!p0 $0x108  }
0x21: {  	s3 =	sadd.s32 s3, s9;
	s6 =	sadd.s32 @!p0 $0x88, s6;
	s7 =	simm.s32 @p2 $0x1082  }
0x22: {  	[simem:s7], [sflag:s8] =	dma.local @!p0 [hbm:s6], $0xF7A  }
0x23: {  	s9 =	sor.u32 $0xD0000000, s2;
	s6 =	simm.s32 $0x108;
	_ =	swait.ge @!p0 [sflag:s8], $0x0  }
0x24: {  	s3 =	sadd.s32 $0x88, s3;
	s6 =	simm.s32 @!p1 $0x1082;
	[sflag:s4] =	ssyncset.s32 $0xFFFFF086  }
0x25: {  	[simem:s6], [sflag:s4] =	dma.local [hbm:s3], $0xF7A  }
0x26: {  	[smem:$0x3F9C] =	sst s1;
	(tag) =	ssettag s2;
	_ =	strace s9  }
0x27: {  	s1 =	sld [smem:$0x3FAC]  }
0x28: {  	s2 =	sld [smem:$0x3FAD]  }
0x29: {  	s4 =	sld [smem:$0x3FAF]  }
0x2a: {  	p0 =	seq.s32 s5, $0x0;
	s5 =	sld [smem:$0x3FB0]  }
0x2b: {  	s6 =	sld [smem:$0x3FB1]  }
0x2c: {  	s7 =	sld [smem:$0x3FB2]  }
0x2d: {  	s3 =	simm.s32 $0x108;
	s8 =	sld [smem:$0x3FB3]  }
0x2e: {  	s3 =	simm.s32 @!p0 $0x1082;
	s9 =	sld [smem:$0x3FB4]  }
0x2f: {  	lr =	sadd.s32 s0, s3;
	s0 =	sld [smem:$0x3FAB]  }
0x30: {  	s3 =	sld [smem:$0x3FAE]  }
0x31: {  	[smem:$0x3FB7] =	sst s10  }
0x32: {  	s10 =	sld [smem:$0x3FB5];
	_ =	sdelay $0x3  }
0x33: {  	p0 =	seq.s32 s10, $0x1;
	s10 =	sld [smem:$0x3FB7];
	_ =	sdelay $0x3  }
0x34: {  	[smem:$0x3FB7] =	sst s10  }
0x35: {  	s10 =	sld [smem:$0x3FB6];
	_ =	sdelay $0x3  }
0x36: {  	p1 =	seq.s32 s10, $0x1;
	s10 =	sld [smem:$0x3FB7];
	_ =	sdelay $0x3  }
0x37: {  	[smem:$0x3FB7] =	sst s10  }
0x38: {  	s10 =	sld [smem:$0x3FB8]  }
0x39: {  	_ = 	snop;
	(pc) =	sbr.ind lr, $3  }
0x3a: {  	_ = 	snop  }
0x3b: {  	_ = 	snop  }
0x3c: {  	p2 =	seq.s32 s10, $0x1;
	s10 =	sld [smem:$0x3FB7]  }
0x3d: {  	_ =	shalt  }
0x3e: {  	_ =	shalt  }
0x3f: {  	_ =	shalt  }
0x40: {  	_ =	shalt  }
0x41: {  	_ =	shalt  }
0x42: {  	_ =	shalt  }
0x43: {  	_ =	shalt  }
0x44: {  	_ =	shalt  }
0x45: {  	_ =	shalt  }
0x46: {  	_ =	shalt  }
0x47: {  	_ =	shalt  }
0x48: {  	_ =	shalt  }
0x49: {  	_ =	shalt  }
0x4a: {  	_ =	shalt  }
0x4b: {  	_ =	shalt  }
0x4c: {  	_ =	shalt  }
0x4d: {  	_ =	shalt  }
0x4e: {  	_ =	shalt  }
0x4f: {  	_ =	shalt  }
0x50: {  	_ =	shalt  }
0x51: {  	_ =	shalt  }
0x52: {  	_ =	shalt  }
0x53: {  	_ =	shalt  }
0x54: {  	_ =	shalt  }
0x55: {  	_ =	shalt  }
0x56: {  	_ =	shalt  }
0x57: {  	_ =	shalt  }
0x58: {  	_ =	shalt  }
0x59: {  	_ =	shalt  }
0x5a: {  	_ =	shalt  }
0x5b: {  	_ =	shalt  }
0x5c: {  	_ =	shalt  }
0x5d: {  	_ =	shalt  }
0x5e: {  	_ =	shalt  }
0x5f: {  	_ =	shalt  }
0x60: {  	_ =	shalt  }
0x61: {  	_ =	shalt  }
0x62: {  	_ =	shalt  }
0x63: {  	_ =	shalt  }
0x64: {  	_ =	shalt  }
0x65: {  	_ =	shalt  }
0x66: {  	_ =	shalt  }
0x67: {  	_ =	shalt  }
0x68: {  	_ =	shalt  }
0x69: {  	_ =	shalt  }
0x6a: {  	_ =	shalt  }
0x6b: {  	_ =	shalt  }
0x6c: {  	_ =	shalt  }
0x6d: {  	_ =	shalt  }
0x6e: {  	_ =	shalt  }
0x6f: {  	_ =	shalt  }
0x70: {  	_ =	shalt  }
0x71: {  	_ =	shalt  }
0x72: {  	_ =	shalt  }
0x73: {  	_ =	shalt  }
0x74: {  	_ =	shalt  }
0x75: {  	_ =	shalt  }
0x76: {  	_ =	shalt  }
0x77: {  	_ =	shalt  }
0x78: {  	_ =	shalt  }
0x79: {  	_ =	shalt  }
0x7a: {  	_ =	shalt  }
0x7b: {  	_ =	shalt  }
0x7c: {  	_ =	shalt  }
0x7d: {  	_ =	shalt  }
0x7e: {  	_ =	shalt  }
0x7f: {  	_ =	shalt  }
0x80: {  	_ =	shalt  }
0x81: {  	_ =	shalt  }
0x82: {  	_ =	shalt  }
0x83: {  	_ =	shalt  }
0x84: {  	_ =	shalt  }
0x85: {  	_ =	shalt  }
0x86: {  	_ =	shalt  }
0x87: {  	_ =	shalt  }
.Lfunc_end0:
.L_simem_size_0:
called_computation_lowered:
.L_overlay_start_0:
0x88: {  	s2 =	sld [smem:$0x3FD9]  }
0x89: {  	s3 =	sld [smem:$0x3FFE];
	_ =	sdelay $0x1  }
0x8a: {  	s1 =	srdreg.scid  }
0x8b: {  	s0 =	sand.u32 $0x1, s1  }
0x8c: {  	s17 =	sshll.u32 s0, $0xA;
	s2 =	sadd.s32 s3, s2  }
0x8d: {  	s2 =	sadd.s32 s2, s17  }
0x8e: {  	[smem:$0x3FC3] =	sst s2  }
0x8f: {  	_ = 	snop  }
0x90: {  	s2 =	sld [smem:$0x3FC9]  }
0x91: {  	s18 =	sld [smem:$0x3FC8]  }
0x92: {  	s4 =	sld [smem:$0x3FC6]  }
0x93: {  	s5 =	sld [smem:$0x3FC5];
	(tm) =	ssettm $0x1  }
0x94: {  	s6 =	sld [smem:$0x3FFB];
	_ =	sdelay $0x3  }
0x95: {  	_ =	strace s6  }
0x96: {  	s6 =	sld [smem:$0x3FFC];
	_ =	sdelay $0x3  }
0x97: {  	_ =	strace s6  }
0x98: {  	s6 =	sld [smem:$0x3FFD];
	_ =	sdelay $0x3  }
0x99: {  	_ =	strace s6  }
0x9a: {  	_ =	strace $0x8FFFFFFF  }
0x9b: {  	s19 =	sld [smem:$0x3FDB];
	_ =	sdelay $0x1  }
0x9c: {  	s7 =	simm.s32 $_scs_section_size  }
0x9d: {  	s8 =	simm.s32 $_size__tile_overlayer_lowered;
	s9 =	simm.s32 $_tile_overlayer_lowered  }
0x9e: {  	s22 =	simm.s32 $0x1BFF;
	s21 =	sshll.u32 s9, $0x1;
	s6 =	sadd.s32 s7, s19  }
0x9f: {  	s10 =	simm.s32 $0x0;
	s20 =	sshll.u32 s8, $0x1;
	s8 =	sadd.s32 s21, s6  }
0xa0: {  	[timem:s10], [sflag:s22] =	dma.local [hbm:s8], s20  }
0xa1: {  	_ =	swait.ge [sflag:s22], s20  }
0xa2: {  	s7 =	ssub.s32 $0x0, s20;
	[sflag:s22] =	ssyncset.done $0x0  }
0xa3: {  	[sflag:s22] =	ssyncadd.s32 s7;
	_ =	sdelay $0x1  }
0xa4: {  	s23 =	simm.s32 $0x1B8B  }
0xa5: {  	_ =	swait.ge [sflag:s23], $0x1  }
0xa6: {  	[sflag:s23] =	ssyncset.done $0x0  }
0xa7: {  	s25 =	simm.s32 $0x1B8E;
	s24 =	sld [smem:$0x3FFE];
	[sflag:s23] =	ssyncadd.s32 $0xFFFFFFFF  }
0xa8: {  	s26 =	simm.s32 $execute0_lowered;
	[smem:$0x3FD2] =	sst s25  }
0xa9: {  	s8 =	sshll.u32 s26, $0x1;
	_ =	strace $0x80000046;
	[dreg:$0x1] =	wrdreg $0xFFFFFFFF  }
0xaa: {  	s28 =	simm.s32 $_size_execute0_lowered;
	s6 =	sadd.s32 s6, s8;
	[dreg:$0x0] =	wrdreg $0x0  }
0xab: {  	s8 =	sshll.u32 s28, $0x1;
	[dreg:$0x2] =	wrdreg s6  }
0xac: {  	[dreg:$0x3] =	wrdreg s8  }
0xad: {  	[dreg:$0x4] =	wrdreg $0xC0  }
0xae: {  	_ =	task [dreg:s10], $0x5FFFF  }
0xaf: {  	[dreg:$0x1] =	wrdreg $0xFFFFFFFF  }
0xb0: {  	[dreg:$0x0] =	wrdreg $0x60  }
0xb1: {  	[dreg:$0x2] =	wrdreg s2  }
0xb2: {  	[dreg:$0x3] =	wrdreg s18  }
0xb3: {  	[dreg:$0x4] =	wrdreg s24  }
0xb4: {  	[dreg:$0x5] =	wrdreg s4  }
0xb5: {  	[dreg:$0x6] =	wrdreg s5  }
0xb6: {  	[dreg:$0x7] =	wrdreg $0x9  }
0xb7: {  	_ =	task.clear_ibuf [dreg:s10], $0x8FFFF;
	_ =	strace $0x90000046  }
0xb8: {  	s29 =	simm.s32 $0x9;
	_ =	strace $0x80000048  }
0xb9: {  	_ =	swait.ge [sflag:s29], $0x1  }
0xba: {  	[sflag:s29] =	ssyncadd.s32 $0xFFFFFFFF  }
0xbb: {  	_ =	strace $0x90000048  }
0xbc: {  	_ =	sfence  }
0xbd: {  	s30 =	sld [smem:$0x0];
	_ =	sdelay $0x2  }
0xbe: {  	s31 =	sshll.u32 s1, $0xD;
	s1 =	sshrl.u32 s1, $0x2  }
0xbf: {  	s3 =	sand.u32 $0x4000, s31;
	s1 =	sadd.s32 s1, s30  }
0xc0: {  	s0 =	sor.u32 s3, s0;
	s1 =	sshll.u32 s1, $0x11  }
0xc1: {  	s0 =	sor.u32 s1, s0  }
0xc2: {  	s0 =	sadd.s32 $0x8F2B, s0  }
0xc3: {  	[sflag:s0] =	ssyncadd.remote.s32 $0x1  }
0xc4: {  	_ =	sfence.sel $0xFFFF  }
0xc5: {  	[dreg:$0x0] =	wrdreg $0xFFFFFFFF;
	(pc) =	sbr.abs _section_cstart, $3  }
0xc6: {  	[dreg:$0x1] =	wrdreg $0xFFFFFFFF  }
0xc7: {  	_ =	task.clear_ibuf [dreg:s10], $0x2FFFF;
	_ =	strace $0x9FFFFFFF  }
0xc8: {  	(tm) =	ssettm $0x7FFFFFFF  }
0xc9: {  	_ =	shalt  }
tec
execute0_lowered:
.L_overlay_start_1:
0x0: {  	(tag) =	ssettag $0x1  }
0x1: {  	s0 =	rddreg [dreg:$0x0]  }
0x2: {  	s2 =	rddreg [dreg:$0x1]  }
0x3: {  	s4 =	rddreg [dreg:$0x2]  }
0x4: {  	s5 =	rddreg [dreg:$0x3]  }
0x5: {  	s6 =	rddreg [dreg:$0x4]  }
0x6: {  	s1 =	srdreg.scid;
	s3 =	stileid.u32  }
0x7: {  	s7 =	simm.s32 $0x0;
	s14 =	simm.s32 $0x5;
	s15 =	simm.s32 $0x100  }
0x8: {  	s16 =	simm.s32 $0x200;
	s17 =	simm.s32 $0x40;
	s20 =	simm.s32 $0x68  }
0x9: {  	s22 =	simm.s32 $0x60;
	s25 =	simm.s32 $0x1;
	s26 =	simm.s32 $0x2  }
0xa: {  	s29 =	simm.s32 $0x0;
	s1 =	sand.u32 $0x1, s1;
	s3 =	sshll.u32 s3, $0x1  }
0xb: {  	[smem:$0x7FF] =	sst s7;
	s3 =	sor.u32 s1, s3;
	s1 =	ssub.s32 $0x2, s1  }
.Ltmp0:
0xc: {  	_ =	strace $0x80000047;
	s8 =	sshll.u32 s3, $0x4;
	(pc) =	sbr.rel .LBB2_1-.Ltmp0, $4  }
0xd: {  	s9 =	sshrl.u32 s1, $0x1;
	s11 =	sshll.u32 s3, $0x9;
	s31 =	sshll.u32 s3, $0x6  }
0xe: {  	s3 =	sshll.u32 s3, $0xE;
	s12 =	sadd.s32 s8, s4;
	s1 =	ssub.s32 s1, s9  }
0xf: {  	s8 =	sadd.s32 s0, s31;
	s9 =	sadd.s32 s2, s31;
	s10 =	sadd.s32 s4, s3  }
0x10: {  	s11 =	sor.u32 $0x40, s11;
	s12 =	sadd.s32 $0x80000, s12;
	s13 =	smax.u32 s1, $0x1  }
.LBB2_9:
0x11: {  	s29 =	sadd.s32 $0x1, s29  }
0x12: {  	v0 =	vmov s30;
	p0 =	sne.s32 s29, s13  }
.Ltmp1:
0x13: {  	s1 =	simm.s32 $0x1CA00;
	[tilespmem:$0x1CA00] =	vst v0;
	(pc) =	sbr.rel @!p0 .LBB2_10-.Ltmp1, $4  }
0x14: {  	[hbm4b:s12+s7] =	stream.linear.scatter [tilespmem:s1], [sflag:$0x5], $0x80, $0x38;
	[tilespmem:$0x1CA80] =	vst v63  }
0x15: {  	_ =	swait.ge [sflag:s14], $0x80  }
0x16: {  	[sflag:s14] =	ssyncset.done $0x0  }
0x17: {  	[sflag:s14] =	ssyncadd.s32 $0xFFFFFF80  }
.LBB2_1:
0x18: {  	[tilespmem:s7], [sflag:$0x5] =	stream.linear.gather [hbm4b:s8+s7], $0x40, $0x38;
	[tilespmem:$0x1CA80] =	vst v63  }
0x19: {  	_ =	swait.ge [sflag:s14], $0x40  }
0x1a: {  	[sflag:s14] =	ssyncset.done $0x0  }
0x1b: {  	[sflag:s14] =	ssyncadd.s32 $0xFFFFFFC0  }
0x1c: {  	[tilespmem:s15], [sflag:$0x5] =	stream.linear.gather [hbm4b:s9+s7], $0x40, $0x38;
	[tilespmem:$0x1CA80] =	vst v63  }
0x1d: {  	_ =	swait.ge [sflag:s14], $0x40  }
0x1e: {  	[sflag:s14] =	ssyncset.done $0x0  }
0x1f: {  	[sflag:s14] =	ssyncadd.s32 $0xFFFFFFC0  }
0x20: {  	[tilespmem:s16], [sflag:$0x5] =	stream.linear.gather [hbm4b:s10+s7], $0x4000, $0x38;
	[tilespmem:$0x1CA80] =	vst v63  }
0x21: {  	_ =	swait.ge [sflag:s14], $0x4000  }
0x22: {  	[sflag:s14] =	ssyncset.done $0x0  }
0x23: {  	s1 =	simm.s32 $0x8200;
	[sflag:s14] =	ssyncadd.s32 $0xFFFFC000  }
0x24: {  	[tilespmem:s1], [sflag:$0x3] =	stream.indirect.gather [hbm4b:s5+s17], $0x80, s7, s17, $0xb8;
	[tilespmem:$0x1CA80] =	vst v63  }
0x25: {  	s24 =	simm.s32 $0xC200  }
0x26: {  	[tilespmem:s24], [sflag:$0x4] =	stream.indirect.gather [hbm4b:s6+s17], $0x80, s15, s17, $0xb8;
	[tilespmem:$0x1CA80] =	vst v63  }
0x27: {  	s28 =	simm.s32 $0x10200;
	s31 =	simm.s32 $0x280  }
0x28: {  	[tilespmem:s28], [sflag:$0x1] =	stream.indirect.gather [hbm4b:s6+s20], $0x80, s16, s20, $0xb8;
	[tilespmem:$0x1CA80] =	vst v63  }
0x29: {  	s3 =	simm.s32 $0x13600;
	s30 =	simm.f32 $0.0e+00;
	s18 =	simm.s32 $0x0  }
0x2a: {  	[tilespmem:s3], [sflag:$0x2] =	stream.indirect.gather [hbm4b:s6+s22], $0x80, s31, s22, $0xb8;
	[tilespmem:$0x1CA80] =	vst v63  }
.LBB2_2:
0x2b: {  	s1 =	sand.u32 $0x3F, s18  }
0x2c: {  	p0 =	sne.s32 s1, $0x0  }
0x2d: {  	s3 =	simm.s32 @!p0 $0x3  }
0x2e: {  	_ =	swait.ge @!p0 [sflag:s3], $0x2000  }
0x2f: {  	[sflag:s3] =	ssyncset.done @!p0 $0x0  }
0x30: {  	[sflag:s3] =	ssyncadd.s32 @!p0 $0xFFFFE000;
	s3 =	simm.s32 @!p0 $0x4  }
0x31: {  	_ =	swait.ge @!p0 [sflag:s3], $0x2000  }
0x32: {  	[sflag:s3] =	ssyncset.done @!p0 $0x0  }
0x33: {  	[sflag:s3] =	ssyncadd.s32 @!p0 $0xFFFFE000;
	p0 =	sgt.u32 s18, $0x1BF  }
0x34: {  	p1 =	sne.s32 @!p0 s1, $0x3F  }
0x35: {  	_ =	swait.ge [sflag:s25], $0x3400;
	p0 =	por p0, p1  }
.Ltmp2:
0x36: {  	[sflag:s25] =	ssyncset.done $0x0;
	(pc) =	sbr.rel @p0 .LBB2_4-.Ltmp2, $4  }
0x37: {  	[sflag:s25] =	ssyncadd.s32 $0xFFFFCC00  }
0x38: {  	_ =	swait.ge [sflag:s26], $0x3000  }
0x39: {  	s19 =	sshrl.u32 s18, $0x6;
	[sflag:s26] =	ssyncset.done $0x0  }
0x3a: {  	s19 =	sand.u32 $0x1, s19;
	s3 =	sand.u32 $0x1, s18;
	[sflag:s26] =	ssyncadd.s32 $0xFFFFD000  }
0x3b: {  	s31 =	sand.u32 $0x1C0, s18  }
0x3c: {  	s31 =	sadd.s32 s31, s11  }
0x3d: {  	s21 =	sxor.u32 $0x1, s19;
	s23 =	sshrl.u32 s31, $0x3  }
0x3e: {  	s24 =	sshll.u32 s21, $0x7;
	s28 =	sadd.s32 s0, s23  }
0x3f: {  	[tilespmem:s24], [sflag:$0x5] =	stream.linear.gather [hbm4b:s28+s7], $0x40, $0x38;
	[tilespmem:$0x1CA80] =	vst v63  }
0x40: {  	_ =	swait.ge [sflag:s14], $0x40  }
0x41: {  	[sflag:s14] =	ssyncset.done $0x0  }
0x42: {  	s23 =	sadd.s32 s2, s23;
	s28 =	sor.u32 $0x100, s24;
	[sflag:s14] =	ssyncadd.s32 $0xFFFFFFC0  }
0x43: {  	[tilespmem:s28], [sflag:$0x5] =	stream.linear.gather [hbm4b:s23+s7], $0x40, $0x38;
	[tilespmem:$0x1CA80] =	vst v63  }
0x44: {  	s23 =	sshll.u32 s31, $0x5;
	_ =	swait.ge [sflag:s14], $0x40  }
0x45: {  	s31 =	sshll.u32 s21, $0xE;
	s23 =	sand.u32 $0xFF800, s23;
	[sflag:s14] =	ssyncset.done $0x0  }
0x46: {  	s31 =	sor.u32 $0x200, s31;
	s23 =	sadd.s32 s4, s23;
	[sflag:s14] =	ssyncadd.s32 $0xFFFFFFC0  }
0x47: {  	[tilespmem:s31], [sflag:$0x5] =	stream.linear.gather [hbm4b:s23+s7], $0x4000, $0x38;
	[tilespmem:$0x1CA80] =	vst v63  }
0x48: {  	_ =	swait.ge [sflag:s14], $0x4000  }
0x49: {  	s21 =	sshll.u32 s21, $0xD;
	[sflag:s14] =	ssyncset.done $0x0  }
0x4a: {  	s31 =	sor.u32 $0x8200, s21;
	[sflag:s14] =	ssyncadd.s32 $0xFFFFC000  }
0x4b: {  	[tilespmem:s31], [sflag:$0x3] =	stream.indirect.gather [hbm4b:s5+s17], $0x80, s24, s17, $0xb8;
	[tilespmem:$0x1CA80] =	vst v63  }
0x4c: {  	s21 =	sor.u32 $0xC200, s21  }
0x4d: {  	[tilespmem:s21], [sflag:$0x4] =	stream.indirect.gather [hbm4b:s6+s17], $0x80, s28, s17, $0xb8;
	[tilespmem:$0x1CA80] =	vst v63  }
.LBB2_5:
0x4e: {  	s21 =	sxor.u32 $0x1, s3  }
0x4f: {  	s31 =	sadd.s32 $0x1, s18;
	s24 =	smul.u32 $0x19000, s21  }
0x50: {  	s28 =	sshll.u32 s31, $0x8  }
0x51: {  	s21 =	sand.u32 $0x7F00, s28;
	s18 =	sshrl.u32 s24, $0x2  }
0x52: {  	s24 =	sadd.s32 $0x200, s21;
	s23 =	sor.u32 $0x10200, s18  }
0x53: {  	[tilespmem:s23], [sflag:$0x1] =	stream.indirect.gather [hbm4b:s6+s20], $0x80, s24, s20, $0xb8;
	[tilespmem:$0x1CA80] =	vst v63  }
0x54: {  	s21 =	sadd.s32 $0x280, s21;
	s18 =	sadd.s32 $0x13600, s18  }
0x55: {  	[tilespmem:s18], [sflag:$0x2] =	stream.indirect.gather [hbm4b:s6+s22], $0x80, s21, s22, $0xb8;
	[tilespmem:$0x1CA80] =	vst v63  }
.LBB2_6:
0x56: {  	s18 =	sshll.u32 s19, $0xD;
	s1 =	sshll.u32 s1, $0x7  }
0x57: {  	s1 =	sor.u32 s1, s18  }
0x58: {  	v10 =	vld [tilespmem:s1+$0x8200]  }
0x59: {  	v11 =	vld [tilespmem:s1+$0x8210]  }
0x5a: {  	v8 =	vld [tilespmem:s1+$0x8220]  }
0x5b: {  	v6 =	vld [tilespmem:s1+$0x8230]  }
0x5c: {  	v3 =	vld [tilespmem:s1+$0x8240]  }
0x5d: {  	v2 =	vld [tilespmem:s1+$0x8250]  }
0x5e: {  	v1 =	vld [tilespmem:s1+$0x8260]  }
0x5f: {  	s3 =	smul.u32 $0x19000, s3;
	v0 =	vld [tilespmem:s1+$0x8270]  }
0x60: {  	v13 =	vld [tilespmem:s1+$0xC200]  }
0x61: {  	v14 =	vld [tilespmem:s1+$0xC210];
	s3 =	sshrl.u32 s3, $0x2  }
0x62: {  	v12 =	vld [tilespmem:s1+$0xC220];
	s3 =	sor.u32 $0x10300, s3  }
0x63: {  	v15 =	vld [tilespmem:s3+$0x50]  }
0x64: {  	v16 =	vld [tilespmem:s3+$0xC0]  }
0x65: {  	v17 =	vld [tilespmem:s3+$0x40]  }
0x66: {  	v18 =	vld [tilespmem:s3+$0xB0]  }
0x67: {  	v19 =	vld [tilespmem:s3+$0x30]  }
0x68: {  	v20 =	vld [tilespmem:s3+$0xA0]  }
0x69: {  	v21 =	vld [tilespmem:s3+$0x90]  }
0x6a: {  	v22 =	vld [tilespmem:s3+$0x80]  }
0x6b: {  	v23 =	vld [tilespmem:s3+$0x20]  }
0x6c: {  	v24 =	vld [tilespmem:s3+$0x10]  }
0x6d: {  	v25 =	vld [tilespmem:s3+$0x0]  }
0x6e: {  	v26 =	vld [tilespmem:s3+$0xFFFFFF90]  }
0x6f: {  	v27 =	vld [tilespmem:s3+$0xFFFFFF00];
	v15 =	vsub.f32 v15, v2  }
0x70: {  	v28 =	vld [tilespmem:s3+$0xFFFFFF10];
	v16 =	vsub.f32 v16, v3;
	v17 =	vsub.f32 v17, v3  }
0x71: {  	v30 =	vld [tilespmem:s3+$0xFFFFFF20];
	v18 =	vsub.f32 v18, v6;
	v19 =	vsub.f32 v19, v6  }
0x72: {  	v35 =	vld [tilespmem:s3+$0xE0];
	s28 =	sadd.s32 $0x200, s3;
	v20 =	vsub.f32 v20, v8;
	v21 =	vsub.f32 v21, v11  }
0x73: {  	v53 =	vld [tilespmem:s28+$0xC0];
	v22 =	vsub.f32 v22, v10;
	v23 =	vsub.f32 v23, v8  }
0x74: {  	v29 =	vld [tilespmem:s3+$0xFFFFFF80];
	v24 =	vsub.f32 v24, v11;
	v25 =	vsub.f32 v25, v10  }
0x75: {  	v36 =	vld [tilespmem:s28+$0x30];
	v26 =	vsub.f32 v26, v11;
	v27 =	vsub.f32 v27, v10  }
0x76: {  	v31 =	vld [tilespmem:s3+$0xFFFFFFA0];
	v28 =	vsub.f32 v28, v11;
	v30 =	vsub.f32 v30, v8;
	v18 =	vmul.f32 v18, v18  }
0x77: {  	v37 =	vld [tilespmem:s28+$0x90];
	v51 =	vsub.f32 v35, v1;
	v21 =	vmul.f32 v21, v21;
	v22 =	vmul.f32 v22, v22  }
0x78: {  	v9 =	vld [tilespmem:s1+$0xC230];
	v35 =	vsub.f32 v53, v3;
	v20 =	vmul.f32 v20, v20;
	v24 =	vmul.f32 v24, v24  }
0x79: {  	v34 =	vld [tilespmem:s3+$0xD0];
	v25 =	vmul.f32 v25, v25;
	v21 =	vadd.f32 v21, v22;
	v22 =	vsub.f32 v29, v10  }
0x7a: {  	v33 =	vld [tilespmem:s3+$0xFFFFFFB0];
	v36 =	vsub.f32 v36, v6;
	v26 =	vmul.f32 v26, v26;
	v27 =	vmul.f32 v27, v27  }
0x7b: {  	v50 =	vld [tilespmem:s3+$0xFFFFFFF0];
	v20 =	vadd.f32 v20, v21;
	v21 =	vmul.f32 v22, v22;
	v22 =	vsub.f32 v31, v8  }
0x7c: {  	v37 =	vsub.f32 v37, v11;
	v28 =	vmul.f32 v28, v28;
	v16 =	vmul.f32 v16, v16;
	v29 =	vld [tilespmem:s3+$0xFFFFFFC0]  }
0x7d: {  	v24 =	vadd.f32 v24, v25;
	v25 =	vld [tilespmem:s3+$0xF0];
	v21 =	vadd.f32 v26, v21;
	v22 =	vmul.f32 v22, v22  }
0x7e: {  	v32 =	vld [tilespmem:s3+$0xFFFFFF30];
	v27 =	vadd.f32 v28, v27;
	v28 =	vmul.f32 v30, v30;
	v30 =	vsub.f32 v34, v2  }
0x7f: {  	v52 =	vld [tilespmem:s3+$0xFFFFFF60];
	v18 =	vadd.f32 v18, v20;
	v21 =	vadd.f32 v22, v21;
	v22 =	vmul.f32 v23, v23  }
0x80: {  	v19 =	vmul.f32 v19, v19;
	v31 =	vld [tilespmem:s3+$0xFFFFFFD0];
	v26 =	vadd.f32 v28, v27;
	v27 =	vsub.f32 v33, v6  }
0x81: {  	v7 =	vld [tilespmem:s1+$0xC240];
	v17 =	vmul.f32 v17, v17;
	v33 =	vsub.f32 v50, v0;
	v22 =	vadd.f32 v22, v24  }
0x82: {  	v15 =	vmul.f32 v15, v15;
	v20 =	vld [tilespmem:s3+$0x60];
	v29 =	vsub.f32 v29, v3;
	v25 =	vsub.f32 v25, v0  }
0x83: {  	v28 =	vld [tilespmem:s3+$0xFFFFFF40];
	v27 =	vmul.f32 v27, v27;
	v16 =	vadd.f32 v16, v18;
	v19 =	vadd.f32 v19, v22  }
0x84: {  	v55 =	vld [tilespmem:s28+$0xFFFFFF00];
	v18 =	vmul.f32 v30, v30;
	v30 =	vsub.f32 v32, v6;
	v32 =	vsub.f32 v52, v1  }
0x85: {  	v34 =	vmul.f32 v51, v51;
	v23 =	vld [tilespmem:s3+$0x70];
	v31 =	vsub.f32 v31, v2;
	v17 =	vadd.f32 v17, v19  }
0x86: {  	v29 =	vmul.f32 v29, v29;
	v21 =	vadd.f32 v27, v21;
	v27 =	vld [tilespmem:s3+$0xFFFFFF50];
	v16 =	vadd.f32 v18, v16  }
0x87: {  	v30 =	vmul.f32 v30, v30;
	v20 =	vsub.f32 v20, v1;
	v15 =	vadd.f32 v15, v17;
	v17 =	vld [tilespmem:s28+$0x40]  }
0x88: {  	v25 =	vmul.f32 v25, v25;
	v24 =	vld [tilespmem:s3+$0xFFFFFFE0];
	v28 =	vsub.f32 v28, v3;
	v16 =	vadd.f32 v34, v16  }
0x89: {  	v22 =	vld [tilespmem:s3+$0xFFFFFF70];
	v21 =	vadd.f32 v29, v21;
	v26 =	vadd.f32 v30, v26;
	v20 =	vmul.f32 v20, v20  }
0x8a: {  	v29 =	vld [tilespmem:s28+$0xB0];
	v30 =	vmul.f32 v31, v31;
	v34 =	vsub.f32 v55, v10;
	v16 =	vadd.f32 v25, v16  }
0x8b: {  	v25 =	vld [tilespmem:s28+$0xFFFFFF80];
	v27 =	vsub.f32 v27, v2;
	v15 =	vadd.f32 v20, v15;
	v20 =	vmul.f32 v28, v28  }
0x8c: {  	v23 =	vsub.f32 v23, v0;
	v38 =	vsub.f32 v17, v3;
	v17 =	vld [tilespmem:s28+$0x80]  }
0x8d: {  	v21 =	vadd.f32 v30, v21;
	v27 =	vmul.f32 v27, v27;
	v28 =	vld [tilespmem:s28+$0xA0];
	v20 =	vadd.f32 v20, v26  }
0x8e: {  	v24 =	vsub.f32 v24, v1;
	v23 =	vmul.f32 v23, v23;
	v22 =	vsub.f32 v22, v0;
	v26 =	vld [tilespmem:s28+$0xFFFFFF90]  }
0x8f: {  	v29 =	vsub.f32 v29, v6;
	v20 =	vadd.f32 v27, v20;
	v27 =	vld [tilespmem:s28+$0xFFFFFF10]  }
0x90: {  	v5 =	vld [tilespmem:s1+$0xC250];
	v18 =	vmul.f32 v24, v24;
	v23 =	vadd.f32 v23, v15;
	v15 =	vmul.f32 v32, v32  }
0x91: {  	v39 =	vld [tilespmem:s28+$0xFFFFFF20];
	v37 =	vmul.f32 v37, v37;
	v25 =	vsub.f32 v25, v10;
	v17 =	vsub.f32 v17, v10  }
0x92: {  	v54 =	vld [tilespmem:s28+$0x10];
	v22 =	vmul.f32 v22, v22;
	v18 =	vadd.f32 v18, v21;
	v20 =	vadd.f32 v15, v20  }
0x93: {  	v56 =	vld [tilespmem:s28+$0xFFFFFFC0];
	v28 =	vsub.f32 v28, v8;
	v26 =	vsub.f32 v26, v11;
	v17 =	vmul.f32 v17, v17  }
0x94: {  	v33 =	vmul.f32 v33, v33;
	v31 =	vld [tilespmem:s28+$0x20];
	(xrf2) =	vadd.scan.msk.f32 $0xffff, v23;
	v20 =	vadd.f32 v22, v20;
	v22 =	vsub.f32 v27, v11  }
0x95: {  	v28 =	vmul.f32 v28, v28;
	v23 =	vmul.f32 v26, v26;
	v26 =	vld [tilespmem:s28+$0xFFFFFFB0];
	v17 =	vadd.f32 v37, v17  }
0x96: {  	v24 =	vld [tilespmem:s28+$0x0];
	(xrf2) =	vadd.scan.msk.f32 $0xffff, v16;
	v16 =	vmul.f32 v34, v34;
	v21 =	vmul.f32 v22, v22;
	v22 =	vsub.f32 v39, v8  }
0x97: {  	v30 =	vld [tilespmem:s28+$0xFFFFFFA0];
	v29 =	vmul.f32 v29, v29;
	v25 =	vmul.f32 v25, v25;
	v17 =	vadd.f32 v28, v17  }
0x98: {  	v19 =	vld [tilespmem:s28+$0x50];
	v57 =	vadd.f32 v33, v18;
	v16 =	vadd.f32 v21, v16;
	v18 =	vmul.f32 v22, v22  }
0x99: {  	v27 =	vld [tilespmem:s28+$0xD0];
	v22 =	vadd.f32 v23, v25;
	v25 =	vadd.f32 v29, v17  }
0x9a: {  	v60 =	vld [tilespmem:s28+$0xFFFFFF40];
	v17 =	vadd.f32 v18, v16;
	v16 =	vsub.f32 v26, v6  }
0x9b: {  	v58 =	vld [tilespmem:s28+$0xFFFFFF30];
	v32 =	vsub.f32 v54, v11;
	v24 =	vsub.f32 v24, v10  }
0x9c: {  	v59 =	vld [tilespmem:s28+$0x60];
	v31 =	vsub.f32 v31, v8;
	v28 =	vsub.f32 v30, v8  }
0x9d: {  	v19 =	vsub.f32 v19, v2;
	v32 =	vmul.f32 v32, v32;
	v24 =	vmul.f32 v24, v24;
	(xrf2) =	vadd.scan.msk.f32 $0xffff, v20;
	v30 =	vld [tilespmem:s28+$0xE0]  }
0x9e: {  	v4 =	vld [tilespmem:s1+$0xC260];
	v23 =	vmul.f32 v28, v28;
	v26 =	vsub.f32 v27, v2;
	v27 =	vmul.f32 v16, v16;
	v16, _, _ =	vpop (xrf2);
	(xrf2) =	vadd.scan.msk.f32 $0xffff, v57  }
0x9f: {  	v34 =	vsub.f32 v60, v3;
	v20 =	vadd.f32 v32, v24;
	v29 =	vld [tilespmem:s28+$0xF0]  }
0xa0: {  	v15 =	vld [tilespmem:s1+$0xC270];
	v32 =	vsub.f32 v58, v6;
	v23 =	vadd.f32 v23, v22  }
0xa1: {  	v21 =	vld [tilespmem:s28+$0xFFFFFFD0];
	v18 =	vmul.f32 v35, v35;
	v35 =	vsub.f32 v59, v1;
	v22 =	vmul.f32 v31, v31  }
0xa2: {  	v24 =	vld [tilespmem:s28+$0x70];
	v31 =	vsub.f32 v56, v3;
	v61 =	vsub.f32 v30, v1  }
0xa3: {  	v62 =	vmul.f32 v36, v36;
	v30 =	vld [tilespmem:s28+$0xFFFFFFF0];
	v63 =	vadd.f32 v22, v20;
	v20 =	vadd.f32 v18, v25  }
0xa4: {  	v33 =	vmul.f32 v19, v19;
	v28 =	vadd.f32 v27, v23;
	v27 =	vld [tilespmem:s28+$0xFFFFFF50];
	v40 =	vsub.f32 v29, v0;
	v23, _, _ =	vpop (xrf2)  }
0xa5: {  	v38 =	vmul.f32 v38, v38;
	v29 =	vld [tilespmem:s28+$0xFFFFFFE0];
	v36 =	vadd.f32 v62, v63;
	(v2sf) =	vpush v23, $0xF  }
0xa6: {  	v22 =	vmul.f32 v26, v26;
	v31 =	vmul.f32 v31, v31;
	v26 =	vld [tilespmem:s28+$0xFFFFFF70];
	v25 =	vsub.f32 v21, v2  }
0xa7: {  	s18 =	sadd.s32 $0x200, s28;
	s3 =	simm.s32 $0x4;
	s1 =	simm.f32 $3.000000010e+38;
	v21 =	vld [tilespmem:s28+$0xFFFFFF60];
	v18 =	vmul.f32 v61, v61;
	v19, _, _ =	vpop (xrf2);
	v23 =	vmul.f32 v40, v40;
	v36 =	vadd.f32 v38, v36  }
.LBB2_7:
0xa8: {  	v37 =	vld [tilespmem:s18+$0x50];
	s3 =	sadd.s32 $0x4, s3;
	v32 =	vmul.f32 v32, v32;
	v30 =	vsub.f32 v30, v0;
	(v2sf) =	vpush v19, $0xF;
	v19, _, _ =	vpop (xrf2)  }
0xa9: {  	v28 =	vadd.f32 v31, v28;
	v38 =	vld [tilespmem:s18+$0xC0];
	p0 =	slt.u32 s3, $0xC4;
	v31 =	vadd.f32 v33, v36  }
0xaa: {  	v35 =	vmul.f32 v35, v35;
	v29 =	vsub.f32 v29, v1;
	v33 =	vld [tilespmem:s18+$0x40];
	(v2sf) =	vpush v19, $0xF  }
0xab: {  	v24 =	vsub.f32 v24, v0;
	v36 =	vld [tilespmem:s18+$0xB0];
	(v2sf) =	vpush v16, $0xF  }
0xac: {  	v34 =	vmul.f32 v34, v34;
	v27 =	vsub.f32 v27, v2;
	v31 =	vadd.f32 v35, v31;
	v16 =	vld [tilespmem:s18+$0x30]  }
0xad: {  	v24 =	vmul.f32 v24, v24;
	v19 =	vsub.f32 v37, v2;
	v35 =	vld [tilespmem:s18+$0xA0];
	v37 =	vsub.f32 v21, v1  }
0xae: {  	v17 =	vadd.f32 v32, v17;
	v27 =	vmul.f32 v27, v27;
	v39 =	vld [tilespmem:s18+$0x90];
	v38 =	vsub.f32 v38, v3  }
0xaf: {  	v25 =	vmul.f32 v25, v25;
	v26 =	vsub.f32 v26, v0;
	v21 =	vsub.f32 v33, v3;
	v32 =	vld [tilespmem:s18+$0x80]  }
0xb0: {  	v24 =	vadd.f32 v24, v31;
	v37 =	vmul.f32 v37, v37;
	v33 =	vld [tilespmem:s18+$0x20];
	v36 =	vsub.f32 v36, v6  }
0xb1: {  	v20 =	vadd.f32 v22, v20;
	v29 =	vmul.f32 v29, v29;
	v31 =	vld [tilespmem:s18+$0x10];
	v16 =	vsub.f32 v16, v6  }
0xb2: {  	v17 =	vadd.f32 v34, v17;
	v26 =	vmul.f32 v26, v26;
	v22 =	vld [tilespmem:s18+$0x0];
	v35 =	vsub.f32 v35, v8;
	(xrf2) =	vadd.scan.msk.f32 $0xffff, v24  }
0xb3: {  	v18 =	vadd.f32 v18, v20;
	v24 =	vld [tilespmem:s18+$0xFFFFFF90];
	v34 =	vmul.f32 v16, v16;
	v16 =	vsub.f32 v39, v11  }
0xb4: {  	v17 =	vadd.f32 v27, v17;
	v36 =	vmul.f32 v36, v36;
	v20 =	vld [tilespmem:s18+$0xFFFFFF00];
	v32 =	vsub.f32 v32, v10;
	s19 =	spop (v2sf)  }
0xb5: {  	v18 =	vadd.f32 v23, v18;
	v27 =	vld [tilespmem:s18+$0xFFFFFF10];
	v33 =	vsub.f32 v33, v8;
	v16 =	vmul.f32 v16, v16  }
0xb6: {  	v17 =	vadd.f32 v37, v17;
	v23 =	vld [tilespmem:s18+$0xFFFFFF80];
	v31 =	vsub.f32 v31, v11;
	v32 =	vmul.f32 v32, v32  }
0xb7: {  	v25 =	vadd.f32 v25, v28;
	v35 =	vmul.f32 v35, v35;
	v37 =	vld [tilespmem:s18+$0xFFFFFF20];
	v22 =	vsub.f32 v22, v10;
	(xrf2) =	vadd.scan.msk.f32 $0xffff, v18;
	s21 =	spop (v2sf)  }
0xb8: {  	v30 =	vmul.f32 v30, v30;
	v18 =	vsub.f32 v24, v11;
	v24 =	vld [tilespmem:s18+$0xFFFFFFA0];
	v28 =	vmul.f32 v31, v31  }
0xb9: {  	v17 =	vadd.f32 v26, v17;
	s1 =	smin.f32 s1, s21;
	v20 =	vsub.f32 v20, v10;
	v31 =	vld [tilespmem:s18+$0xFFFFFF30];
	v22 =	vmul.f32 v22, v22;
	s21 =	spop (v2sf)  }
0xba: {  	v39 =	vadd.f32 v16, v32;
	v26 =	vsub.f32 v27, v11;
	v18 =	vmul.f32 v18, v18;
	v27 =	vld [tilespmem:s18+$0xFFFFFFB0];
	s1 =	smin.f32 s1, s21;
	s21 =	spop (v2sf)  }
0xbb: {  	v25 =	vadd.f32 v29, v25;
	v20 =	vmul.f32 v20, v20;
	v23 =	vsub.f32 v23, v10;
	v32 =	vld [tilespmem:s18+$0xD0];
	(xrf2) =	vadd.scan.msk.f32 $0xffff, v17;
	s1 =	smin.f32 s1, s21  }
0xbc: {  	v35 =	vadd.f32 v35, v39;
	v17 =	vmul.f32 v26, v26;
	v26 =	vsub.f32 v37, v8;
	v29 =	vld [tilespmem:s18+$0xFFFFFFC0];
	v16, _, _ =	vpop (xrf2);
	s1 =	smin.f32 s1, s19  }
0xbd: {  	v25 =	vadd.f32 v30, v25;
	v23 =	vmul.f32 v23, v23;
	v24 =	vsub.f32 v24, v8;
	v37 =	vld [tilespmem:s18+$0xE0]  }
0xbe: {  	v22 =	vadd.f32 v28, v22;
	v17 =	vadd.f32 v17, v20;
	v20 =	vmul.f32 v26, v26;
	v39 =	vld [tilespmem:s18+$0xFFFFFFD0]  }
0xbf: {  	v26 =	vadd.f32 v36, v35;
	v18 =	vadd.f32 v18, v23;
	v23 =	vmul.f32 v24, v24;
	v35 =	vld [tilespmem:s18+$0xF0];
	(xrf2) =	vadd.scan.msk.f32 $0xffff, v25  }
0xc0: {  	v25 =	vmul.f32 v38, v38;
	v17 =	vadd.f32 v20, v17;
	v20 =	vsub.f32 v27, v6  }
0xc1: {  	v27 =	vsub.f32 v32, v2;
	v18 =	vadd.f32 v23, v18;
	v23 =	vmul.f32 v33, v33;
	v36 =	vld [tilespmem:s18+$0x60];
	v38, _, _ =	vpop (xrf2)  }
0xc2: {  	v29 =	vsub.f32 v29, v3;
	v40 =	vld [tilespmem:s18+$0xFFFFFF40];
	v28 =	vmul.f32 v20, v20;
	v32 =	vsub.f32 v37, v1  }
0xc3: {  	v20 =	vadd.f32 v25, v26;
	v23 =	vadd.f32 v23, v22;
	v24 =	vld [tilespmem:s18+$0x70];
	v22 =	vmul.f32 v27, v27  }
.Ltmp3:
0xc4: {  	v28 =	vadd.f32 v28, v18;
	v30 =	vld [tilespmem:s18+$0xFFFFFFF0];
	v18 =	vmul.f32 v32, v32;
	v37 =	vsub.f32 v35, v0;
	(pc) =	sbr.rel @p0 .LBB2_7-.Ltmp3, $4  }
0xc5: {  	v33 =	vmul.f32 v19, v19;
	v32 =	vsub.f32 v31, v6;
	v31 =	vmul.f32 v29, v29;
	v29 =	vld [tilespmem:s18+$0xFFFFFFE0];
	v19, _, _ =	vpop (xrf2)  }
0xc6: {  	v42 =	vmul.f32 v21, v21;
	v41 =	vadd.f32 v34, v23;
	v27 =	vld [tilespmem:s18+$0xFFFFFF50];
	(v2sf) =	vpush v38, $0xF  }
0xc7: {  	v25 =	vsub.f32 v39, v2;
	v35 =	vsub.f32 v36, v1;
	v23 =	vmul.f32 v37, v37;
	v26 =	vld [tilespmem:s18+$0xFFFFFF70]  }
0xc8: {  	v34 =	vsub.f32 v40, v3;
	v36 =	vadd.f32 v42, v41;
	v21 =	vld [tilespmem:s18+$0xFFFFFF60];
	s18 =	sadd.s32 $0x200, s18  }
0xc9: {  	v30 =	vsub.f32 v30, v0  }
0xca: {  	v28 =	vadd.f32 v31, v28;
	v24 =	vsub.f32 v24, v0  }
0xcb: {  	v10 =	vsub.f32 v13, v10;
	v11 =	vsub.f32 v14, v11  }
0xcc: {  	v38 =	vmul.f32 v35, v35;
	v8 =	vsub.f32 v12, v8;
	v20 =	vadd.f32 v22, v20  }
0xcd: {  	v32 =	vmul.f32 v32, v32;
	v6 =	vsub.f32 v9, v6;
	v3 =	vsub.f32 v7, v3  }
0xce: {  	v42 =	vmul.f32 v25, v25;
	v49 =	vsub.f32 v5, v2;
	v53 =	vsub.f32 v4, v1  }
0xcf: {  	v56 =	vsub.f32 v15, v0;
	v37 =	vadd.f32 v33, v36;
	v34 =	vmul.f32 v34, v34  }
0xd0: {  	v29 =	vsub.f32 v29, v1;
	v10 =	vmul.f32 v10, v10;
	v11 =	vmul.f32 v11, v11  }
0xd1: {  	v27 =	vsub.f32 v27, v2;
	v24 =	vmul.f32 v24, v24;
	v39 =	vadd.f32 v32, v17  }
0xd2: {  	v8 =	vmul.f32 v8, v8;
	v45 =	vadd.f32 v18, v20;
	v10 =	vadd.f32 v11, v10  }
0xd3: {  	v6 =	vmul.f32 v6, v6;
	v52 =	vadd.f32 v42, v28;
	v21 =	vsub.f32 v21, v1  }
0xd4: {  	v40 =	vmul.f32 v27, v27;
	v44 =	vadd.f32 v34, v39;
	v8 =	vadd.f32 v8, v10  }
0xd5: {  	v3 =	vmul.f32 v3, v3;
	v31 =	vadd.f32 v38, v37;
	v41 =	vsub.f32 v26, v0  }
0xd6: {  	v43 =	vmul.f32 v21, v21;
	v47 =	vadd.f32 v40, v44;
	v6 =	vadd.f32 v6, v8  }
0xd7: {  	v2 =	vmul.f32 v49, v49;
	v46 =	vmul.f32 v29, v29;
	v24 =	vadd.f32 v24, v31  }
0xd8: {  	v50 =	vmul.f32 v41, v41;
	v51 =	vadd.f32 v43, v47;
	v3 =	vadd.f32 v3, v6  }
0xd9: {  	v54 =	vmul.f32 v30, v30;
	v48 =	vadd.f32 v23, v45;
	v55 =	vadd.f32 v46, v52  }
0xda: {  	v1 =	vmul.f32 v53, v53;
	(xrf2) =	vadd.scan.msk.f32 $0xffff, v24;
	v5 =	vadd.f32 v50, v51;
	v2 =	vadd.f32 v2, v3  }
0xdb: {  	v57 =	vadd.f32 v54, v55;
	(xrf2) =	vadd.scan.msk.f32 $0xffff, v48  }
0xdc: {  	v0 =	vmul.f32 v56, v56;
	(xrf2) =	vadd.scan.msk.f32 $0xffff, v5;
	v1 =	vadd.f32 v1, v2  }
0xdd: {  	(xrf2) =	vadd.scan.msk.f32 $0xffff, v57  }
0xde: {  	v0 =	vadd.f32 v0, v1;
	_ =	sdelay $0x1  }
0xdf: {  	(xrf2) =	vadd.scan.msk.f32 $0xffff, v0;
	_ =	sdelay $0x2  }
0xe0: {  	v58, _, _ =	vpop (xrf2);
	(v2sf) =	vpush v19, $0xF  }
0xe1: {  	(v2sf) =	vpush v58, $0xF;
	v59, _, _ =	vpop (xrf2)  }
0xe2: {  	(v2sf) =	vpush v16, $0xF;
	v60, _, _ =	vpop (xrf2)  }
0xe3: {  	(v2sf) =	vpush v60, $0xF;
	v61, _, _ =	vpop (xrf2)  }
0xe4: {  	(v2sf) =	vpush v61, $0xF;
	v62, _, _ =	vpop (xrf2)  }
0xe5: {  	(v2sf) =	vpush v62, $0xF  }
0xe6: {  	(v2sf) =	vpush v59, $0xF  }
0xe7: {  	v63, _, _ =	vpop (xrf2)  }
0xe8: {  	(v2sf) =	vpush v63, $0xF;
	_ =	sdelay $0x5  }
0xe9: {  	s3 =	spop (v2sf)  }
0xea: {  	s18 =	spop (v2sf)  }
0xeb: {  	s1 =	smin.f32 s1, s18;
	s24 =	spop (v2sf)  }
0xec: {  	s1 =	smin.f32 s1, s24;
	s28 =	spop (v2sf)  }
0xed: {  	s1 =	smin.f32 s1, s28;
	s19 =	spop (v2sf)  }
0xee: {  	s1 =	smin.f32 s1, s3;
	s21 =	spop (v2sf)  }
0xef: {  	s1 =	smin.f32 s1, s21;
	s23 =	spop (v2sf)  }
0xf0: {  	s1 =	smin.f32 s1, s23;
	s24 =	spop (v2sf)  }
0xf1: {  	s1 =	smin.f32 s1, s24  }
0xf2: {  	s1 =	smin.f32 s1, s19;
	s28 =	spop (v2sf)  }
0xf3: {  	p0 =	slt.u32 s31, $0x200;
	s1 =	ssub.f32 s1, s28  }
.Ltmp4:
0xf4: {  	_ = 	snop;
	(pc) =	sbr.rel @p0 .LBB2_2-.Ltmp4, $4  }
.Ltmp5:
0xf5: {  	s1 =	sadd.f32 $-5.000000000e-01, s1;
	(pc) =	sbr.rel @!p0 .LBB2_9-.Ltmp5, $4  }
0xf6: {  	_ = 	snop  }
0xf7: {  	s1 =	sand.u32 $0x7FFFFFFF, s1  }
0xf8: {  	s18 =	smov.u32 s31;
	s30 =	sadd.f32 s1, s30  }
0xf9: {  	_ = 	snop  }
.LBB2_4:
0xfa: {  	p0 =	seq.s32 s18, $0x1FF  }
.Ltmp6:
0xfb: {  	_ = 	snop;
	(pc) =	sbr.rel @p0 .LBB2_6-.Ltmp6, $4  }
.Ltmp7:
0xfc: {  	_ = 	snop;
	(pc) =	sbr.rel @!p0 .LBB2_5-.Ltmp7, $4  }
0xfd: {  	_ = 	snop  }
0xfe: {  	_ = 	snop  }
0xff: {  	s31 =	simm.s32 $0x200  }
0x100: {  	_ = 	snop  }
.LBB2_10:
0x101: {  	_ =	sfence.sel $0x180000  }
0x102: {  	[bflag:$0x0] =	sbarrier.arrive $0xFFFF  }
0x103: {  	_ =	strace $0x90000047  }
0x104: {  	s0 =	stileid.u32;
	[bflag:$0x2] =	sbarrier.arrive $0xFFFF  }
0x105: {  	p0 =	sne.s32 s0, $0x0;
	s0 =	rddreg [dreg:$0x5]  }
0x106: {  	s0 =	sadd.s32 @!p0 $0x100000, s0  }
0x107: {  	[sflag:s0] =	ssyncadd.tile.s32 @!p0 $0x1;
	_ =	shalt  }
.Lfunc_end2:
_tile_overlayer_lowered:
.L_overlay_start_2:
0x108: {  	(tag) =	ssettag $0x2  }
0x109: {  	s0 =	rddreg [dreg:$0x0];
	s2 =	stileid.u32  }
0x10a: {  	s1 =	rddreg [dreg:$0x1];
	p0 =	sne.s32 s2, $0x0  }
0x10b: {  	s3 =	rddreg [dreg:$0x2];
	[bflag:$0x3] =	sbarrier.arrive $0xFFFF;
	s2 =	simm.s32 @!p0 $0x1C05  }
0x10c: {  	[timem:s3], [sflag:s2] =	dma.local @!p0 [hbm:s0], s1  }
0x10d: {  	s0 =	simm.s32 @!p0 $0x5  }
0x10e: {  	_ =	swait.ge @!p0 [sflag:s0], s1  }
0x10f: {  	s1 =	ssub.s32 @!p0 $0x0, s1;
	[sflag:s0] =	ssyncset.done @!p0 $0x0  }
0x110: {  	[sflag:s0] =	ssyncadd.s32 @!p0 s1  }
0x111: {  	[bflag:$0x3] =	sbarrier.arrive $0xFFFF  }
0x112: {  	_ =	shalt  }

</sc_bundles>
